<compile_context>
chip_gen: v7x
topology: tpu7x:2x2x1
jax: 0.10.2.dev20260603
libtpu: 0.0.44.dev20260713+nightly
codegen_flags: <defaults>
</compile_context>

<pallas_src>
import functools

import jax
import jax.numpy as jnp
from jax import lax
from jax.experimental import pallas as pl
from jax.experimental.pallas import tpu as pltpu
from jax.experimental.pallas import tpu_sc as plsc

NC = 2
NS = 16
NW = NC * NS
LANES = 16

_MESH = functools.partial(
    plsc.VectorSubcoreMesh,
    core_axis_name="c",
    subcore_axis_name="s",
    num_cores=NC,
    num_subcores=NS,
)


def _worker_id():
  return lax.axis_index("s") * NC + lax.axis_index("c")


def _make_deg_kernel(N, E):
  epw = E // NW

  @functools.partial(
      pl.kernel,
      out_type=jax.ShapeDtypeStruct((NW, N), jnp.float32),
      mesh=_MESH(),
      compiler_params=pltpu.CompilerParams(needs_layout_passes=False),
      scratch_types=[
          pltpu.VMEM((epw,), jnp.int32),
          pltpu.VMEM((N,), jnp.float32),
      ],
  )
  def deg_kernel(dst_hbm, out_hbm, idx_v, acc_v):
    wid = _worker_id()
    pltpu.sync_copy(dst_hbm.at[pl.ds(wid * epw, epw)], idx_v)
    zero16 = jnp.zeros((LANES,), jnp.float32)
    one16 = jnp.ones((LANES,), jnp.float32)

    @pl.loop(0, N // LANES)
    def _(j):
      acc_v[pl.ds(j * LANES, LANES)] = zero16

    @pl.loop(0, epw // LANES)
    def _(k):
      idx = idx_v[pl.ds(k * LANES, LANES)]
      plsc.addupdate_scatter(acc_v, [idx], one16)

    pltpu.sync_copy(acc_v, out_hbm.at[wid])

  return deg_kernel


def _make_row_scatter_kernel(N, E, D, chunk):
  epw = E // NW
  iters = epw // chunk

  @functools.partial(
      pl.kernel,
      out_type=jax.ShapeDtypeStruct((NC, N, D), jnp.float32),
      mesh=_MESH(),
      scratch_types=[
          pltpu.VMEM((chunk,), jnp.int32),
          pltpu.VMEM((chunk,), jnp.int32),
          pltpu.VMEM((chunk, D), jnp.float32),
          pltpu.VMEM_SHARED((N, D), jnp.float32),
          pltpu.SemaphoreType.DMA,
      ],
  )
  def row_scatter(src_hbm, dst_hbm, g_hbm, zs_hbm, out_hbm,
                  sidx_v, didx_v, rows_v, acc_sh, gsem):
    cid = lax.axis_index("c")
    sid = lax.axis_index("s")
    wid = sid * NC + cid

    @pl.when(sid == 0)
    def _():
      pltpu.sync_copy(zs_hbm, acc_sh)

    plsc.subcore_barrier()

    @pl.loop(0, iters)
    def _(j):
      base = wid * epw + j * chunk
      pltpu.sync_copy(src_hbm.at[pl.ds(base, chunk)], sidx_v)
      pltpu.sync_copy(dst_hbm.at[pl.ds(base, chunk)], didx_v)
      pltpu.async_copy(g_hbm.at[sidx_v], rows_v, gsem).wait()
      pltpu.sync_copy(rows_v, acc_sh.at[didx_v], add=True)

    plsc.subcore_barrier()
    ncopy = 10
    rpw = N // ncopy

    @pl.when(sid < ncopy)
    def _():
      pltpu.sync_copy(acc_sh.at[pl.ds(sid * rpw, rpw)],
                      out_hbm.at[cid, pl.ds(sid * rpw, rpw)])

  return row_scatter


def _make_scalar_scatter_kernel(N, E):
  epw = E // NW

  @functools.partial(
      pl.kernel,
      out_type=jax.ShapeDtypeStruct((NW, N), jnp.float32),
      mesh=_MESH(),
      compiler_params=pltpu.CompilerParams(needs_layout_passes=False),
      scratch_types=[
          pltpu.VMEM((epw,), jnp.int32),
          pltpu.VMEM((epw,), jnp.int32),
          pltpu.VMEM((N,), jnp.float32),
          pltpu.VMEM((N,), jnp.float32),
      ],
  )
  def scalar_scatter(src_hbm, dst_hbm, g_hbm, out_hbm,
                     sidx_v, didx_v, vals_v, acc_v):
    wid = _worker_id()
    pltpu.sync_copy(src_hbm.at[pl.ds(wid * epw, epw)], sidx_v)
    pltpu.sync_copy(dst_hbm.at[pl.ds(wid * epw, epw)], didx_v)
    pltpu.sync_copy(g_hbm, vals_v)
    zero16 = jnp.zeros((LANES,), jnp.float32)

    @pl.loop(0, N // LANES)
    def _(j):
      acc_v[pl.ds(j * LANES, LANES)] = zero16

    @pl.loop(0, epw // LANES)
    def _(k):
      si = sidx_v[pl.ds(k * LANES, LANES)]
      di = didx_v[pl.ds(k * LANES, LANES)]
      v = plsc.load_gather(vals_v, [si])
      plsc.addupdate_scatter(acc_v, [di], v)

    pltpu.sync_copy(acc_v, out_hbm.at[wid])

  return scalar_scatter


def _tc1_body(degp_ref, x_ref, gx_ref, dinv_ref):
  deg = jnp.sum(degp_ref[...], axis=0) + 1.0
  dinv = lax.rsqrt(deg)
  gx_ref[...] = x_ref[...] * dinv[:, None]
  dinv_ref[...] = dinv[:, None]


def _tc2_body(s1p_ref, gx_ref, dinv_ref, w1t_ref, b1_ref, w2t_ref, g2_ref):
  sx = (s1p_ref[0] + s1p_ref[1] + gx_ref[...]) * dinv_ref[...]
  h1 = jnp.dot(sx, w1t_ref[...], preferred_element_type=jnp.float32)
  out1 = jnp.tanh(h1 + b1_ref[...])
  h2 = jnp.dot(out1, w2t_ref[...], preferred_element_type=jnp.float32)
  g2_ref[...] = h2 * dinv_ref[...]


def _tc3_body(s2p_ref, g2_ref, dinv_ref, b2_ref, out_ref):
  s2 = jnp.sum(s2p_ref[...], axis=0)[:, None] + g2_ref[...]
  out2 = s2 * dinv_ref[...] + b2_ref[0, 0]
  out_ref[...] = jnp.sqrt(jnp.sum(out2 * out2, axis=(0, 1), keepdims=True))


@jax.jit
def kernel(x, edge_index, W1, b1, W2, b2):
  N, _ = x.shape
  E = edge_index.shape[1]
  D = W1.shape[0]
  assert E % (NW * LANES) == 0 and N % LANES == 0 and N % NS == 0

  src = edge_index[0]
  dst = edge_index[1]
  Din = x.shape[1]
  w1t = W1.T
  w2t = W2.T
  zs = jnp.zeros((N, Din), jnp.float32)

  degp = _make_deg_kernel(N, E)(dst)

  gx, dinv = pl.pallas_call(
      _tc1_body,
      out_shape=(
          jax.ShapeDtypeStruct((N, Din), jnp.float32),
          jax.ShapeDtypeStruct((N, 1), jnp.float32),
      ),
  )(degp, x)

  s1p = _make_row_scatter_kernel(N, E, Din, chunk=80)(src, dst, gx, zs)

  g2 = pl.pallas_call(
      _tc2_body,
      out_shape=jax.ShapeDtypeStruct((N, 1), jnp.float32),
  )(s1p, gx, dinv, w1t, b1.reshape(1, D), w2t)

  s2p = _make_scalar_scatter_kernel(N, E)(src, dst, g2.reshape(N))

  out = pl.pallas_call(
      _tc3_body,
      out_shape=jax.ShapeDtypeStruct((1, 1), jnp.float32),
  )(s2p, g2, dinv, b2.reshape(1, 1))

  return out.reshape(1)

# --- scband reference (transcript-rebuilt; emitter-appended) ---
"""Pipeline reference for scband-h-gcn-43147241455751 (READ-ONLY COPY).

The authoritative reference and input builder live on the scoring server;
editing this copy changes nothing except your own understanding.
"""

import jax, jax.numpy as jnp
import numpy as np


def gcn_conv(x, edge_index, W, b):
    # Faithful PyG GCNConv with normalize=True, add_self_loops=True, bias=True
    N = x.shape[0]
    loop = jnp.arange(N, dtype=edge_index.dtype)
    src = jnp.concatenate([edge_index[0], loop])
    dst = jnp.concatenate([edge_index[1], loop])
    ew = jnp.ones(src.shape[0], dtype=x.dtype)
    deg = jnp.zeros(N, dtype=x.dtype).at[dst].add(ew)
    deg_inv_sqrt = jnp.where(deg > 0, deg ** -0.5, 0.0)
    norm = deg_inv_sqrt[src] * ew * deg_inv_sqrt[dst]
    h = x @ W.T  # PyG Linear weight shape [out, in]
    msg = norm[:, None] * h[src]
    out = jnp.zeros((N, h.shape[1]), dtype=x.dtype).at[dst].add(msg)
    return out + b


def setup_inputs(seed: int = 0):
    key = jax.random.key(seed)
    k1, k2, k3, k4, k5, k6 = jax.random.split(key, 6)
    N = 10000
    E = 320000
    size_in = 64
    d_in = size_in * 2  # 128
    x = jax.random.normal(k1, (N, d_in), dtype=jnp.float32)
    edge_index = jax.random.randint(k2, (2, E), 0, N)
    W1 = jax.random.normal(k3, (size_in, d_in), dtype=jnp.float32) * (1.0 / np.sqrt(d_in))
    b1 = jnp.zeros((size_in,), dtype=jnp.float32)
    W2 = jax.random.normal(k4, (1, size_in), dtype=jnp.float32) * (1.0 / np.sqrt(size_in))
    b2 = jnp.zeros((1,), dtype=jnp.float32)
    return {"x": x, "edge_index": edge_index, "W1": W1, "b1": b1, "W2": W2, "b2": b2}


def reference(x, edge_index, W1, b1, W2, b2):
    out = gcn_conv(x, edge_index, W1, b1)
    out = jnp.tanh(out)
    out = gcn_conv(out, edge_index, W2, b2)
    out = jnp.linalg.norm(out, axis=0)  # torch.norm(out, dim=0) -> shape [1]
    return out

if __name__ == "__main__":
    import jax
    _d = setup_inputs()
    print(jax.jit(kernel)(*tuple(_d.values())))

</pallas_src>

<mosaic_0001>
#map = affine_map<(d0, d1) -> (0)>
#map1 = affine_map<(d0, d1) -> (0, 0)>
module attributes {stable_mosaic.version = 14 : i64} {
  func.func @deg_kernel(%arg0: i32, %arg1: i32, %arg2: memref<320000xi32, #tpu.memory_space<hbm>>, %arg3: memref<32x10000xf32, #tpu.memory_space<hbm>>, %arg4: memref<10000xi32, #tpu.memory_space<vmem>>, %arg5: memref<10000xf32, #tpu.memory_space<vmem>>) attributes {dimension_semantics = [#tpu.dimension_semantics<core_parallel>, #tpu.dimension_semantics<subcore_parallel>], iteration_bounds = array<i64: 2, 16>, scalar_prefetch = 0 : i64, scratch_operands = 2 : i64, tpu.core_type = #tpu.core_type<sc_vector_subcore>, window_params = [{transform_indices = #map}, {transform_indices = #map1}]} {
    %mul3A = arith.constant 2 : i32
    %mul3A_0 = arith.muli %arg1, %mul3A : i32
    %add3A = arith.addi %mul3A_0, %arg0 : i32
    %mul3A_1 = arith.constant 10000 : i32
    %mul3A_2 = arith.muli %add3A, %mul3A_1 : i32
    "tpu.region"() ({
      %run_scoped3A = tpu.sem_alloc : memref<!tpu.dma_semaphore, #tpu.memory_space<semaphore_mem>>
      %dma_start3A = tpu.memref_slice %arg2[%mul3A_2] : memref<320000xi32, #tpu.memory_space<hbm>> -> memref<10000xi32, #tpu.memory_space<hbm>>
      %dma_start3A_15 = tpu.memref_slice %arg2[%mul3A_2] : memref<320000xi32, #tpu.memory_space<hbm>> -> memref<10000xi32, #tpu.memory_space<hbm>>
      tpu.enqueue_dma source(%dma_start3A_15 : memref<10000xi32, #tpu.memory_space<hbm>>) target(%arg4 : memref<10000xi32, #tpu.memory_space<vmem>>) target_semaphore(%run_scoped3A : memref<!tpu.dma_semaphore, #tpu.memory_space<semaphore_mem>>)
      %dma_wait3A = tpu.memref_slice %arg2[%mul3A_2] : memref<320000xi32, #tpu.memory_space<hbm>> -> memref<10000xi32, #tpu.memory_space<hbm>>
      %dma_wait3A_16 = tpu.memref_slice %arg2[%mul3A_2] : memref<320000xi32, #tpu.memory_space<hbm>> -> memref<10000xi32, #tpu.memory_space<hbm>>
      tpu.wait_dma2 semaphore(%run_scoped3A : memref<!tpu.dma_semaphore, #tpu.memory_space<semaphore_mem>>) src(%dma_wait3A_16 : memref<10000xi32, #tpu.memory_space<hbm>>) dst(%arg4 : memref<10000xi32, #tpu.memory_space<vmem>>)
      tpu.yield
    }) : () -> ()
    %broadcast_in_dim3A = arith.constant 0.000000e+00 : f32
    %broadcast_in_dim3A_3 = vector.broadcast %broadcast_in_dim3A : f32 to vector<16xf32>
    %broadcast_in_dim3A_4 = arith.constant 1.000000e+00 : f32
    %broadcast_in_dim3A_5 = vector.broadcast %broadcast_in_dim3A_4 : f32 to vector<16xf32>
    %scan3A = arith.constant 0 : i32
    %scan3A_6 = arith.constant 625 : i32
    %scan3A_7 = arith.addi %scan3A, %scan3A_6 : i32
    %scan3A_8 = arith.constant 1 : i32
    scf.for %scan3A_15 = %scan3A to %scan3A_7 step %scan3A_8  : i32 {
      %mul3A_16 = arith.constant 1 : i32
      %mul3A_17 = arith.muli %scan3A_15, %mul3A_16 : i32
      %add3A_18 = arith.constant 0 : i32
      %add3A_19 = arith.addi %add3A_18, %mul3A_17 : i32
      %mul3A_20 = arith.constant 16 : i32
      %mul3A_21 = arith.muli %add3A_19, %mul3A_20 : i32
      %swap3A = arith.index_cast %mul3A_21 : i32 to index
      %swap3A_22 = tpu.vector_load %arg5[%swap3A] {strides = array<i32>} : memref<10000xf32, #tpu.memory_space<vmem>>, vector<16xf32>,
      tpu.vector_store %arg5[%swap3A], %broadcast_in_dim3A_3 {strides = array<i32>} : memref<10000xf32, #tpu.memory_space<vmem>>, vector<16xf32>,
    }
    %scan3A_9 = arith.constant 625 : i32
    %scan3A_10 = arith.constant 0 : i32
    %scan3A_11 = arith.constant 625 : i32
    %scan3A_12 = arith.addi %scan3A_10, %scan3A_11 : i32
    %scan3A_13 = arith.constant 1 : i32
    scf.for %scan3A_15 = %scan3A_10 to %scan3A_12 step %scan3A_13  : i32 {
      %mul3A_16 = arith.constant 1 : i32
      %mul3A_17 = arith.muli %scan3A_15, %mul3A_16 : i32
      %add3A_18 = arith.constant 0 : i32
      %add3A_19 = arith.addi %add3A_18, %mul3A_17 : i32
      %mul3A_20 = arith.constant 16 : i32
      %mul3A_21 = arith.muli %add3A_19, %mul3A_20 : i32
      %get3A = arith.index_cast %mul3A_21 : i32 to index
      %get3A_22 = tpu.vector_load %arg4[%get3A] {strides = array<i32>} : memref<10000xi32, #tpu.memory_space<vmem>>, vector<16xi32>,
      tpu.vector_store_idx %arg5[%get3A_22], %broadcast_in_dim3A_5 {add = true} : memref<10000xf32, #tpu.memory_space<vmem>>[vector<16xi32>], vector<16xf32>,
    }
    %scan3A_14 = arith.constant 625 : i32
    "tpu.region"() ({
      %run_scoped3A = tpu.sem_alloc : memref<!tpu.dma_semaphore, #tpu.memory_space<semaphore_mem>>
      %dma_start3A = arith.constant 0 : i32
      %dma_start3A_15 = tpu.memref_slice %arg3[%add3A, %dma_start3A] : memref<32x10000xf32, #tpu.memory_space<hbm>> -> memref<1x10000xf32, #tpu.memory_space<hbm>>
      %dma_start3A_16 = tpu.memref_squeeze %dma_start3A_15 : memref<1x10000xf32, #tpu.memory_space<hbm>> -> memref<10000xf32, #tpu.memory_space<hbm>>
      %dma_start3A_17 = arith.constant 0 : i32
      %dma_start3A_18 = tpu.memref_slice %arg3[%add3A, %dma_start3A_17] : memref<32x10000xf32, #tpu.memory_space<hbm>> -> memref<1x10000xf32, #tpu.memory_space<hbm>>
      %dma_start3A_19 = tpu.memref_squeeze %dma_start3A_18 : memref<1x10000xf32, #tpu.memory_space<hbm>> -> memref<10000xf32, #tpu.memory_space<hbm>>
      tpu.enqueue_dma source(%arg5 : memref<10000xf32, #tpu.memory_space<vmem>>) target(%dma_start3A_19 : memref<10000xf32, #tpu.memory_space<hbm>>) target_semaphore(%run_scoped3A : memref<!tpu.dma_semaphore, #tpu.memory_space<semaphore_mem>>)
      %dma_wait3A = arith.constant 0 : i32
      %dma_wait3A_20 = tpu.memref_slice %arg3[%add3A, %dma_wait3A] : memref<32x10000xf32, #tpu.memory_space<hbm>> -> memref<1x10000xf32, #tpu.memory_space<hbm>>
      %dma_wait3A_21 = tpu.memref_squeeze %dma_wait3A_20 : memref<1x10000xf32, #tpu.memory_space<hbm>> -> memref<10000xf32, #tpu.memory_space<hbm>>
      %dma_wait3A_22 = arith.constant 0 : i32
      %dma_wait3A_23 = tpu.memref_slice %arg3[%add3A, %dma_wait3A_22] : memref<32x10000xf32, #tpu.memory_space<hbm>> -> memref<1x10000xf32, #tpu.memory_space<hbm>>
      %dma_wait3A_24 = tpu.memref_squeeze %dma_wait3A_23 : memref<1x10000xf32, #tpu.memory_space<hbm>> -> memref<10000xf32, #tpu.memory_space<hbm>>
      tpu.wait_dma2 semaphore(%run_scoped3A : memref<!tpu.dma_semaphore, #tpu.memory_space<semaphore_mem>>) src(%arg5 : memref<10000xf32, #tpu.memory_space<vmem>>) dst(%dma_wait3A_24 : memref<10000xf32, #tpu.memory_space<hbm>>)
      tpu.yield
    }) : () -> ()
    return
  }
}

#map = affine_map<(d0, d1) -> (0)>
#map1 = affine_map<(d0, d1) -> (0, 0)>
#map2 = affine_map<(d0, d1) -> (0, 0, 0)>
module attributes {stable_mosaic.version = 14 : i64} {
  func.func @row_scatter(%arg0: i32, %arg1: i32, %arg2: memref<320000xi32, #tpu.memory_space<hbm>>, %arg3: memref<320000xi32, #tpu.memory_space<hbm>>, %arg4: memref<10000x128xf32, #tpu.memory_space<hbm>>, %arg5: memref<10000x128xf32, #tpu.memory_space<hbm>>, %arg6: memref<2x10000x128xf32, #tpu.memory_space<hbm>>, %arg7: memref<80xi32, #tpu.memory_space<vmem>>, %arg8: memref<80xi32, #tpu.memory_space<vmem>>, %arg9: memref<80x128xf32, #tpu.memory_space<vmem>>, %arg10: memref<10000x128xf32, #tpu.memory_space<vmem_shared>>, %arg11: memref<!tpu.dma_semaphore, #tpu.memory_space<semaphore_mem>>) attributes {dimension_semantics = [#tpu.dimension_semantics<core_parallel>, #tpu.dimension_semantics<subcore_parallel>], iteration_bounds = array<i64: 2, 16>, scalar_prefetch = 0 : i64, scratch_operands = 5 : i64, tpu.core_type = #tpu.core_type<sc_vector_subcore>, window_params = [{transform_indices = #map}, {transform_indices = #map}, {transform_indices = #map1}, {transform_indices = #map1}, {transform_indices = #map2}]} {
    %mul3A = arith.constant 2 : i32
    %mul3A_0 = arith.muli %arg1, %mul3A : i32
    %add3A = arith.addi %mul3A_0, %arg0 : i32
    %eq3A = arith.constant 0 : i32
    %eq3A_1 = arith.cmpi eq, %arg1, %eq3A : i32
    %convert_element_type3A = arith.extui %eq3A_1 : i1 to i32
    %cond3A = arith.constant 0 : i32
    %cond3A_2 = arith.cmpi ne, %convert_element_type3A, %cond3A : i32
    scf.if %cond3A_2 {
      "tpu.region"() ({
        %run_scoped3A = tpu.sem_alloc : memref<!tpu.dma_semaphore, #tpu.memory_space<semaphore_mem>>
        tpu.enqueue_dma source(%arg5 : memref<10000x128xf32, #tpu.memory_space<hbm>>) target(%arg10 : memref<10000x128xf32, #tpu.memory_space<vmem_shared>>) target_semaphore(%run_scoped3A : memref<!tpu.dma_semaphore, #tpu.memory_space<semaphore_mem>>)
        tpu.wait_dma2 semaphore(%run_scoped3A : memref<!tpu.dma_semaphore, #tpu.memory_space<semaphore_mem>>) src(%arg5 : memref<10000x128xf32, #tpu.memory_space<hbm>>) dst(%arg10 : memref<10000x128xf32, #tpu.memory_space<vmem_shared>>)
        tpu.yield
      }) : () -> ()
    } else {
    }
    %barrier3A = arith.constant 0 : index
    tpu.barrier barrier_id(%barrier3A)
    %scan3A = arith.constant 0 : i32
    %scan3A_3 = arith.constant 125 : i32
    %scan3A_4 = arith.addi %scan3A, %scan3A_3 : i32
    %scan3A_5 = arith.constant 1 : i32
    scf.for %scan3A_12 = %scan3A to %scan3A_4 step %scan3A_5  : i32 {
      %mul3A_13 = arith.constant 1 : i32
      %mul3A_14 = arith.muli %scan3A_12, %mul3A_13 : i32
      %add3A_15 = arith.constant 0 : i32
      %add3A_16 = arith.addi %add3A_15, %mul3A_14 : i32
      %mul3A_17 = arith.constant 10000 : i32
      %mul3A_18 = arith.muli %add3A, %mul3A_17 : i32
      %mul3A_19 = arith.constant 80 : i32
      %mul3A_20 = arith.muli %add3A_16, %mul3A_19 : i32
      %add3A_21 = arith.addi %mul3A_18, %mul3A_20 : i32
      "tpu.region"() ({
        %run_scoped3A = tpu.sem_alloc : memref<!tpu.dma_semaphore, #tpu.memory_space<semaphore_mem>>
        %dma_start3A_26 = tpu.memref_slice %arg2[%add3A_21] : memref<320000xi32, #tpu.memory_space<hbm>> -> memref<80xi32, #tpu.memory_space<hbm>>
        %dma_start3A_27 = tpu.memref_slice %arg2[%add3A_21] : memref<320000xi32, #tpu.memory_space<hbm>> -> memref<80xi32, #tpu.memory_space<hbm>>
        tpu.enqueue_dma source(%dma_start3A_27 : memref<80xi32, #tpu.memory_space<hbm>>) target(%arg7 : memref<80xi32, #tpu.memory_space<vmem>>) target_semaphore(%run_scoped3A : memref<!tpu.dma_semaphore, #tpu.memory_space<semaphore_mem>>)
        %dma_wait3A_28 = tpu.memref_slice %arg2[%add3A_21] : memref<320000xi32, #tpu.memory_space<hbm>> -> memref<80xi32, #tpu.memory_space<hbm>>
        %dma_wait3A_29 = tpu.memref_slice %arg2[%add3A_21] : memref<320000xi32, #tpu.memory_space<hbm>> -> memref<80xi32, #tpu.memory_space<hbm>>
        tpu.wait_dma2 semaphore(%run_scoped3A : memref<!tpu.dma_semaphore, #tpu.memory_space<semaphore_mem>>) src(%dma_wait3A_29 : memref<80xi32, #tpu.memory_space<hbm>>) dst(%arg7 : memref<80xi32, #tpu.memory_space<vmem>>)
        tpu.yield
      }) : () -> ()
      "tpu.region"() ({
        %run_scoped3A = tpu.sem_alloc : memref<!tpu.dma_semaphore, #tpu.memory_space<semaphore_mem>>
        %dma_start3A_26 = tpu.memref_slice %arg3[%add3A_21] : memref<320000xi32, #tpu.memory_space<hbm>> -> memref<80xi32, #tpu.memory_space<hbm>>
        %dma_start3A_27 = tpu.memref_slice %arg3[%add3A_21] : memref<320000xi32, #tpu.memory_space<hbm>> -> memref<80xi32, #tpu.memory_space<hbm>>
        tpu.enqueue_dma source(%dma_start3A_27 : memref<80xi32, #tpu.memory_space<hbm>>) target(%arg8 : memref<80xi32, #tpu.memory_space<vmem>>) target_semaphore(%run_scoped3A : memref<!tpu.dma_semaphore, #tpu.memory_space<semaphore_mem>>)
        %dma_wait3A_28 = tpu.memref_slice %arg3[%add3A_21] : memref<320000xi32, #tpu.memory_space<hbm>> -> memref<80xi32, #tpu.memory_space<hbm>>
        %dma_wait3A_29 = tpu.memref_slice %arg3[%add3A_21] : memref<320000xi32, #tpu.memory_space<hbm>> -> memref<80xi32, #tpu.memory_space<hbm>>
        tpu.wait_dma2 semaphore(%run_scoped3A : memref<!tpu.dma_semaphore, #tpu.memory_space<semaphore_mem>>) src(%dma_wait3A_29 : memref<80xi32, #tpu.memory_space<hbm>>) dst(%arg8 : memref<80xi32, #tpu.memory_space<vmem>>)
        tpu.yield
      }) : () -> ()
      %dma_start3A = arith.constant 0 : i32
      %dma_start3A_22 = arith.constant 0 : i32
      %dma_start3A_23 = tpu.memref_slice %arg4[%dma_start3A, %dma_start3A_22] : memref<10000x128xf32, #tpu.memory_space<hbm>> -> memref<10000x128xf32, #tpu.memory_space<hbm>>
      tpu.enqueue_indirect_dma source(%dma_start3A_23 : memref<10000x128xf32, #tpu.memory_space<hbm>>) target(%arg9 : memref<80x128xf32, #tpu.memory_space<vmem>>) offsets(%arg7 : memref<80xi32, #tpu.memory_space<vmem>>) semaphore(%arg11 : memref<!tpu.dma_semaphore, #tpu.memory_space<semaphore_mem>>)
      %dma_wait3A = arith.constant 0 : i32
      %dma_wait3A_24 = arith.constant 0 : i32
      %dma_wait3A_25 = tpu.memref_slice %arg4[%dma_wait3A, %dma_wait3A_24] : memref<10000x128xf32, #tpu.memory_space<hbm>> -> memref<10000x128xf32, #tpu.memory_space<hbm>>
      tpu.wait_indirect_dma semaphore(%arg11 : memref<!tpu.dma_semaphore, #tpu.memory_space<semaphore_mem>>) src(%dma_wait3A_25 : memref<10000x128xf32, #tpu.memory_space<hbm>>) dst(%arg9 : memref<80x128xf32, #tpu.memory_space<vmem>>)
      "tpu.region"() ({
        %run_scoped3A = tpu.sem_alloc : memref<!tpu.dma_semaphore, #tpu.memory_space<semaphore_mem>>
        %dma_start3A_26 = arith.constant 0 : i32
        %dma_start3A_27 = arith.constant 0 : i32
        %dma_start3A_28 = tpu.memref_slice %arg10[%dma_start3A_26, %dma_start3A_27] : memref<10000x128xf32, #tpu.memory_space<vmem_shared>> -> memref<10000x128xf32, #tpu.memory_space<vmem_shared>>
        tpu.enqueue_indirect_dma source(%arg9 : memref<80x128xf32, #tpu.memory_space<vmem>>) target(%dma_start3A_28 : memref<10000x128xf32, #tpu.memory_space<vmem_shared>>) offsets(%arg8 : memref<80xi32, #tpu.memory_space<vmem>>) semaphore(%run_scoped3A : memref<!tpu.dma_semaphore, #tpu.memory_space<semaphore_mem>>) {add = true}
        %dma_wait3A_29 = arith.constant 0 : i32
        %dma_wait3A_30 = arith.constant 0 : i32
        %dma_wait3A_31 = tpu.memref_slice %arg10[%dma_wait3A_29, %dma_wait3A_30] : memref<10000x128xf32, #tpu.memory_space<vmem_shared>> -> memref<10000x128xf32, #tpu.memory_space<vmem_shared>>
        tpu.wait_indirect_dma semaphore(%run_scoped3A : memref<!tpu.dma_semaphore, #tpu.memory_space<semaphore_mem>>) src(%arg9 : memref<80x128xf32, #tpu.memory_space<vmem>>) dst(%dma_wait3A_31 : memref<10000x128xf32, #tpu.memory_space<vmem_shared>>)
        tpu.yield
      }) : () -> ()
    }
    %scan3A_6 = arith.constant 125 : i32
    %barrier3A_7 = arith.constant 0 : index
    tpu.barrier barrier_id(%barrier3A_7)
    %lt3A = arith.constant 10 : i32
    %lt3A_8 = arith.cmpi slt, %arg1, %lt3A : i32
    %convert_element_type3A_9 = arith.extui %lt3A_8 : i1 to i32
    %cond3A_10 = arith.constant 0 : i32
    %cond3A_11 = arith.cmpi ne, %convert_element_type3A_9, %cond3A_10 : i32
    scf.if %cond3A_11 {
      %mul3A_12 = arith.constant 1000 : i32
      %mul3A_13 = arith.muli %arg1, %mul3A_12 : i32
      %mul3A_14 = arith.constant 1000 : i32
      %mul3A_15 = arith.muli %arg1, %mul3A_14 : i32
      "tpu.region"() ({
        %run_scoped3A = tpu.sem_alloc : memref<!tpu.dma_semaphore, #tpu.memory_space<semaphore_mem>>
        %dma_start3A = arith.constant 0 : i32
        %dma_start3A_16 = tpu.memref_slice %arg6[%arg0, %mul3A_15, %dma_start3A] : memref<2x10000x128xf32, #tpu.memory_space<hbm>> -> memref<1x1000x128xf32, #tpu.memory_space<hbm>>
        %dma_start3A_17 = tpu.memref_squeeze %dma_start3A_16 : memref<1x1000x128xf32, #tpu.memory_space<hbm>> -> memref<1000x128xf32, #tpu.memory_space<hbm>>
        %dma_start3A_18 = arith.constant 0 : i32
        %dma_start3A_19 = tpu.memref_slice %arg10[%mul3A_13, %dma_start3A_18] : memref<10000x128xf32, #tpu.memory_space<vmem_shared>> -> memref<1000x128xf32, #tpu.memory_space<vmem_shared>>
        tpu.enqueue_dma source(%dma_start3A_19 : memref<1000x128xf32, #tpu.memory_space<vmem_shared>>) target(%dma_start3A_17 : memref<1000x128xf32, #tpu.memory_space<hbm>>) target_semaphore(%run_scoped3A : memref<!tpu.dma_semaphore, #tpu.memory_space<semaphore_mem>>)
        %dma_wait3A = arith.constant 0 : i32
        %dma_wait3A_20 = tpu.memref_slice %arg6[%arg0, %mul3A_15, %dma_wait3A] : memref<2x10000x128xf32, #tpu.memory_space<hbm>> -> memref<1x1000x128xf32, #tpu.memory_space<hbm>>
        %dma_wait3A_21 = tpu.memref_squeeze %dma_wait3A_20 : memref<1x1000x128xf32, #tpu.memory_space<hbm>> -> memref<1000x128xf32, #tpu.memory_space<hbm>>
        %dma_wait3A_22 = arith.constant 0 : i32
        %dma_wait3A_23 = tpu.memref_slice %arg10[%mul3A_13, %dma_wait3A_22] : memref<10000x128xf32, #tpu.memory_space<vmem_shared>> -> memref<1000x128xf32, #tpu.memory_space<vmem_shared>>
        tpu.wait_dma2 semaphore(%run_scoped3A : memref<!tpu.dma_semaphore, #tpu.memory_space<semaphore_mem>>) src(%dma_wait3A_23 : memref<1000x128xf32, #tpu.memory_space<vmem_shared>>) dst(%dma_wait3A_21 : memref<1000x128xf32, #tpu.memory_space<hbm>>)
        tpu.yield
      }) : () -> ()
    } else {
    }
    return
  }
}

#map = affine_map<(d0, d1) -> (0)>
#map1 = affine_map<(d0, d1) -> (0, 0)>
module attributes {stable_mosaic.version = 14 : i64} {
  func.func @scalar_scatter(%arg0: i32, %arg1: i32, %arg2: memref<320000xi32, #tpu.memory_space<hbm>>, %arg3: memref<320000xi32, #tpu.memory_space<hbm>>, %arg4: memref<10000xf32, #tpu.memory_space<hbm>>, %arg5: memref<32x10000xf32, #tpu.memory_space<hbm>>, %arg6: memref<10000xi32, #tpu.memory_space<vmem>>, %arg7: memref<10000xi32, #tpu.memory_space<vmem>>, %arg8: memref<10000xf32, #tpu.memory_space<vmem>>, %arg9: memref<10000xf32, #tpu.memory_space<vmem>>) attributes {dimension_semantics = [#tpu.dimension_semantics<core_parallel>, #tpu.dimension_semantics<subcore_parallel>], iteration_bounds = array<i64: 2, 16>, scalar_prefetch = 0 : i64, scratch_operands = 4 : i64, tpu.core_type = #tpu.core_type<sc_vector_subcore>, window_params = [{transform_indices = #map}, {transform_indices = #map}, {transform_indices = #map}, {transform_indices = #map1}]} {
    %mul3A = arith.constant 2 : i32
    %mul3A_0 = arith.muli %arg1, %mul3A : i32
    %add3A = arith.addi %mul3A_0, %arg0 : i32
    %mul3A_1 = arith.constant 10000 : i32
    %mul3A_2 = arith.muli %add3A, %mul3A_1 : i32
    "tpu.region"() ({
      %run_scoped3A = tpu.sem_alloc : memref<!tpu.dma_semaphore, #tpu.memory_space<semaphore_mem>>
      %dma_start3A = tpu.memref_slice %arg2[%mul3A_2] : memref<320000xi32, #tpu.memory_space<hbm>> -> memref<10000xi32, #tpu.memory_space<hbm>>
      %dma_start3A_15 = tpu.memref_slice %arg2[%mul3A_2] : memref<320000xi32, #tpu.memory_space<hbm>> -> memref<10000xi32, #tpu.memory_space<hbm>>
      tpu.enqueue_dma source(%dma_start3A_15 : memref<10000xi32, #tpu.memory_space<hbm>>) target(%arg6 : memref<10000xi32, #tpu.memory_space<vmem>>) target_semaphore(%run_scoped3A : memref<!tpu.dma_semaphore, #tpu.memory_space<semaphore_mem>>)
      %dma_wait3A = tpu.memref_slice %arg2[%mul3A_2] : memref<320000xi32, #tpu.memory_space<hbm>> -> memref<10000xi32, #tpu.memory_space<hbm>>
      %dma_wait3A_16 = tpu.memref_slice %arg2[%mul3A_2] : memref<320000xi32, #tpu.memory_space<hbm>> -> memref<10000xi32, #tpu.memory_space<hbm>>
      tpu.wait_dma2 semaphore(%run_scoped3A : memref<!tpu.dma_semaphore, #tpu.memory_space<semaphore_mem>>) src(%dma_wait3A_16 : memref<10000xi32, #tpu.memory_space<hbm>>) dst(%arg6 : memref<10000xi32, #tpu.memory_space<vmem>>)
      tpu.yield
    }) : () -> ()
    %mul3A_3 = arith.constant 10000 : i32
    %mul3A_4 = arith.muli %add3A, %mul3A_3 : i32
    "tpu.region"() ({
      %run_scoped3A = tpu.sem_alloc : memref<!tpu.dma_semaphore, #tpu.memory_space<semaphore_mem>>
      %dma_start3A = tpu.memref_slice %arg3[%mul3A_4] : memref<320000xi32, #tpu.memory_space<hbm>> -> memref<10000xi32, #tpu.memory_space<hbm>>
      %dma_start3A_15 = tpu.memref_slice %arg3[%mul3A_4] : memref<320000xi32, #tpu.memory_space<hbm>> -> memref<10000xi32, #tpu.memory_space<hbm>>
      tpu.enqueue_dma source(%dma_start3A_15 : memref<10000xi32, #tpu.memory_space<hbm>>) target(%arg7 : memref<10000xi32, #tpu.memory_space<vmem>>) target_semaphore(%run_scoped3A : memref<!tpu.dma_semaphore, #tpu.memory_space<semaphore_mem>>)
      %dma_wait3A = tpu.memref_slice %arg3[%mul3A_4] : memref<320000xi32, #tpu.memory_space<hbm>> -> memref<10000xi32, #tpu.memory_space<hbm>>
      %dma_wait3A_16 = tpu.memref_slice %arg3[%mul3A_4] : memref<320000xi32, #tpu.memory_space<hbm>> -> memref<10000xi32, #tpu.memory_space<hbm>>
      tpu.wait_dma2 semaphore(%run_scoped3A : memref<!tpu.dma_semaphore, #tpu.memory_space<semaphore_mem>>) src(%dma_wait3A_16 : memref<10000xi32, #tpu.memory_space<hbm>>) dst(%arg7 : memref<10000xi32, #tpu.memory_space<vmem>>)
      tpu.yield
    }) : () -> ()
    "tpu.region"() ({
      %run_scoped3A = tpu.sem_alloc : memref<!tpu.dma_semaphore, #tpu.memory_space<semaphore_mem>>
      tpu.enqueue_dma source(%arg4 : memref<10000xf32, #tpu.memory_space<hbm>>) target(%arg8 : memref<10000xf32, #tpu.memory_space<vmem>>) target_semaphore(%run_scoped3A : memref<!tpu.dma_semaphore, #tpu.memory_space<semaphore_mem>>)
      tpu.wait_dma2 semaphore(%run_scoped3A : memref<!tpu.dma_semaphore, #tpu.memory_space<semaphore_mem>>) src(%arg4 : memref<10000xf32, #tpu.memory_space<hbm>>) dst(%arg8 : memref<10000xf32, #tpu.memory_space<vmem>>)
      tpu.yield
    }) : () -> ()
    %broadcast_in_dim3A = arith.constant 0.000000e+00 : f32
    %broadcast_in_dim3A_5 = vector.broadcast %broadcast_in_dim3A : f32 to vector<16xf32>
    %scan3A = arith.constant 0 : i32
    %scan3A_6 = arith.constant 625 : i32
    %scan3A_7 = arith.addi %scan3A, %scan3A_6 : i32
    %scan3A_8 = arith.constant 1 : i32
    scf.for %scan3A_15 = %scan3A to %scan3A_7 step %scan3A_8  : i32 {
      %mul3A_16 = arith.constant 1 : i32
      %mul3A_17 = arith.muli %scan3A_15, %mul3A_16 : i32
      %add3A_18 = arith.constant 0 : i32
      %add3A_19 = arith.addi %add3A_18, %mul3A_17 : i32
      %mul3A_20 = arith.constant 16 : i32
      %mul3A_21 = arith.muli %add3A_19, %mul3A_20 : i32
      %swap3A = arith.index_cast %mul3A_21 : i32 to index
      %swap3A_22 = tpu.vector_load %arg9[%swap3A] {strides = array<i32>} : memref<10000xf32, #tpu.memory_space<vmem>>, vector<16xf32>,
      tpu.vector_store %arg9[%swap3A], %broadcast_in_dim3A_5 {strides = array<i32>} : memref<10000xf32, #tpu.memory_space<vmem>>, vector<16xf32>,
    }
    %scan3A_9 = arith.constant 625 : i32
    %scan3A_10 = arith.constant 0 : i32
    %scan3A_11 = arith.constant 625 : i32
    %scan3A_12 = arith.addi %scan3A_10, %scan3A_11 : i32
    %scan3A_13 = arith.constant 1 : i32
    scf.for %scan3A_15 = %scan3A_10 to %scan3A_12 step %scan3A_13  : i32 {
      %mul3A_16 = arith.constant 1 : i32
      %mul3A_17 = arith.muli %scan3A_15, %mul3A_16 : i32
      %add3A_18 = arith.constant 0 : i32
      %add3A_19 = arith.addi %add3A_18, %mul3A_17 : i32
      %mul3A_20 = arith.constant 16 : i32
      %mul3A_21 = arith.muli %add3A_19, %mul3A_20 : i32
      %get3A = arith.index_cast %mul3A_21 : i32 to index
      %get3A_22 = tpu.vector_load %arg6[%get3A] {strides = array<i32>} : memref<10000xi32, #tpu.memory_space<vmem>>, vector<16xi32>,
      %mul3A_23 = arith.constant 16 : i32
      %mul3A_24 = arith.muli %add3A_19, %mul3A_23 : i32
      %get3A_25 = arith.index_cast %mul3A_24 : i32 to index
      %get3A_26 = tpu.vector_load %arg7[%get3A_25] {strides = array<i32>} : memref<10000xi32, #tpu.memory_space<vmem>>, vector<16xi32>,
      %gather3A = tpu.vector_load_idx %arg8[%get3A_22] : memref<10000xf32, #tpu.memory_space<vmem>>[vector<16xi32>], vector<16xf32>,
      tpu.vector_store_idx %arg9[%get3A_26], %gather3A {add = true} : memref<10000xf32, #tpu.memory_space<vmem>>[vector<16xi32>], vector<16xf32>,
    }
    %scan3A_14 = arith.constant 625 : i32
    "tpu.region"() ({
      %run_scoped3A = tpu.sem_alloc : memref<!tpu.dma_semaphore, #tpu.memory_space<semaphore_mem>>
      %dma_start3A = arith.constant 0 : i32
      %dma_start3A_15 = tpu.memref_slice %arg5[%add3A, %dma_start3A] : memref<32x10000xf32, #tpu.memory_space<hbm>> -> memref<1x10000xf32, #tpu.memory_space<hbm>>
      %dma_start3A_16 = tpu.memref_squeeze %dma_start3A_15 : memref<1x10000xf32, #tpu.memory_space<hbm>> -> memref<10000xf32, #tpu.memory_space<hbm>>
      %dma_start3A_17 = arith.constant 0 : i32
      %dma_start3A_18 = tpu.memref_slice %arg5[%add3A, %dma_start3A_17] : memref<32x10000xf32, #tpu.memory_space<hbm>> -> memref<1x10000xf32, #tpu.memory_space<hbm>>
      %dma_start3A_19 = tpu.memref_squeeze %dma_start3A_18 : memref<1x10000xf32, #tpu.memory_space<hbm>> -> memref<10000xf32, #tpu.memory_space<hbm>>
      tpu.enqueue_dma source(%arg9 : memref<10000xf32, #tpu.memory_space<vmem>>) target(%dma_start3A_19 : memref<10000xf32, #tpu.memory_space<hbm>>) target_semaphore(%run_scoped3A : memref<!tpu.dma_semaphore, #tpu.memory_space<semaphore_mem>>)
      %dma_wait3A = arith.constant 0 : i32
      %dma_wait3A_20 = tpu.memref_slice %arg5[%add3A, %dma_wait3A] : memref<32x10000xf32, #tpu.memory_space<hbm>> -> memref<1x10000xf32, #tpu.memory_space<hbm>>
      %dma_wait3A_21 = tpu.memref_squeeze %dma_wait3A_20 : memref<1x10000xf32, #tpu.memory_space<hbm>> -> memref<10000xf32, #tpu.memory_space<hbm>>
      %dma_wait3A_22 = arith.constant 0 : i32
      %dma_wait3A_23 = tpu.memref_slice %arg5[%add3A, %dma_wait3A_22] : memref<32x10000xf32, #tpu.memory_space<hbm>> -> memref<1x10000xf32, #tpu.memory_space<hbm>>
      %dma_wait3A_24 = tpu.memref_squeeze %dma_wait3A_23 : memref<1x10000xf32, #tpu.memory_space<hbm>> -> memref<10000xf32, #tpu.memory_space<hbm>>
      tpu.wait_dma2 semaphore(%run_scoped3A : memref<!tpu.dma_semaphore, #tpu.memory_space<semaphore_mem>>) src(%arg9 : memref<10000xf32, #tpu.memory_space<vmem>>) dst(%dma_wait3A_24 : memref<10000xf32, #tpu.memory_space<hbm>>)
      tpu.yield
    }) : () -> ()
    return
  }
}

module attributes {stable_mosaic.version = 14 : i64} {
  func.func @_tc1_body(%arg0: memref<32x10000xf32, #tpu.memory_space<vmem>>, %arg1: memref<10000x128xf32, #tpu.memory_space<vmem>>, %arg2: memref<10000x128xf32, #tpu.memory_space<vmem>>, %arg3: memref<10000x1xf32, #tpu.memory_space<vmem>>) attributes {dimension_semantics = [], scalar_prefetch = 0 : i64, scratch_operands = 0 : i64, tpu.core_type = #tpu.core_type<tc>} {
    %get3A = arith.constant 0 : index
    %get3A_0 = arith.constant 0 : index
    %get3A_1 = vector.load %arg0[%get3A, %get3A_0] : memref<32x10000xf32, #tpu.memory_space<vmem>>, vector<32x10000xf32>
    %reduce_sum3A = arith.constant dense<0.000000e+00> : vector<10000xf32>
    %reduce_sum3A_2 = vector.multi_reduction <add>, %get3A_1, %reduce_sum3A [0] : vector<32x10000xf32> to vector<10000xf32>
    %add3A = arith.constant 1.000000e+00 : f32
    %add3A_3 = vector.broadcast %add3A : f32 to vector<10000xf32>
    %add3A_4 = arith.addf %reduce_sum3A_2, %add3A_3 : vector<10000xf32>
    %rsqrt3A = math.rsqrt %add3A_4 : vector<10000xf32>
    %get3A_5 = arith.constant 0 : index
    %get3A_6 = arith.constant 0 : index
    %get3A_7 = vector.load %arg1[%get3A_5, %get3A_6] : memref<10000x128xf32, #tpu.memory_space<vmem>>, vector<10000x128xf32>
    %broadcast_in_dim3A = vector.shape_cast %rsqrt3A : vector<10000xf32> to vector<10000x1xf32>
    %mul3A = vector.broadcast %broadcast_in_dim3A : vector<10000x1xf32> to vector<10000x128xf32>
    %mul3A_8 = arith.mulf %get3A_7, %mul3A : vector<10000x128xf32>
    %swap3A = arith.constant 0 : index
    %swap3A_9 = arith.constant 0 : index
    %swap3A_10 = vector.load %arg2[%swap3A, %swap3A_9] : memref<10000x128xf32, #tpu.memory_space<vmem>>, vector<10000x128xf32>
    tpu.vector_store %arg2[%swap3A, %swap3A_9], %mul3A_8 {strides = array<i32>} : memref<10000x128xf32, #tpu.memory_space<vmem>>, vector<10000x128xf32>,
    %broadcast_in_dim3A_11 = vector.shape_cast %rsqrt3A : vector<10000xf32> to vector<10000x1xf32>
    %swap3A_12 = arith.constant 0 : index
    %swap3A_13 = arith.constant 0 : index
    %swap3A_14 = vector.load %arg3[%swap3A_12, %swap3A_13] : memref<10000x1xf32, #tpu.memory_space<vmem>>, vector<10000x1xf32>
    tpu.vector_store %arg3[%swap3A_12, %swap3A_13], %broadcast_in_dim3A_11 {strides = array<i32>} : memref<10000x1xf32, #tpu.memory_space<vmem>>, vector<10000x1xf32>,
    return
  }
}

module attributes {stable_mosaic.version = 14 : i64} {
  func.func @_tc2_body(%arg0: memref<2x10000x128xf32, #tpu.memory_space<vmem>>, %arg1: memref<10000x128xf32, #tpu.memory_space<vmem>>, %arg2: memref<10000x1xf32, #tpu.memory_space<vmem>>, %arg3: memref<128x64xf32, #tpu.memory_space<vmem>>, %arg4: memref<1x64xf32, #tpu.memory_space<vmem>>, %arg5: memref<64x1xf32, #tpu.memory_space<vmem>>, %arg6: memref<10000x1xf32, #tpu.memory_space<vmem>>) attributes {dimension_semantics = [], scalar_prefetch = 0 : i64, scratch_operands = 0 : i64, tpu.core_type = #tpu.core_type<tc>} {
    %get3A = arith.constant 0 : index
    %get3A_0 = arith.constant 0 : index
    %get3A_1 = arith.constant 0 : index
    %get3A_2 = vector.load %arg0[%get3A, %get3A_0, %get3A_1] : memref<2x10000x128xf32, #tpu.memory_space<vmem>>, vector<1x10000x128xf32>
    %get3A_3 = vector.shape_cast %get3A_2 : vector<1x10000x128xf32> to vector<10000x128xf32>
    %get3A_4 = arith.constant 1 : index
    %get3A_5 = arith.constant 0 : index
    %get3A_6 = arith.constant 0 : index
    %get3A_7 = vector.load %arg0[%get3A_4, %get3A_5, %get3A_6] : memref<2x10000x128xf32, #tpu.memory_space<vmem>>, vector<1x10000x128xf32>
    %get3A_8 = vector.shape_cast %get3A_7 : vector<1x10000x128xf32> to vector<10000x128xf32>
    %add3A = arith.addf %get3A_3, %get3A_8 : vector<10000x128xf32>
    %get3A_9 = arith.constant 0 : index
    %get3A_10 = arith.constant 0 : index
    %get3A_11 = vector.load %arg1[%get3A_9, %get3A_10] : memref<10000x128xf32, #tpu.memory_space<vmem>>, vector<10000x128xf32>
    %add3A_12 = arith.addf %add3A, %get3A_11 : vector<10000x128xf32>
    %get3A_13 = arith.constant 0 : index
    %get3A_14 = arith.constant 0 : index
    %get3A_15 = vector.load %arg2[%get3A_13, %get3A_14] : memref<10000x1xf32, #tpu.memory_space<vmem>>, vector<10000x1xf32>
    %mul3A = vector.broadcast %get3A_15 : vector<10000x1xf32> to vector<10000x128xf32>
    %mul3A_16 = arith.mulf %add3A_12, %mul3A : vector<10000x128xf32>
    %get3A_17 = arith.constant 0 : index
    %get3A_18 = arith.constant 0 : index
    %get3A_19 = vector.load %arg3[%get3A_17, %get3A_18] : memref<128x64xf32, #tpu.memory_space<vmem>>, vector<128x64xf32>
    %dot_general3A = arith.constant dense<0.000000e+00> : vector<10000x64xf32>
    %dot_general3A_20 = tpu.matmul %mul3A_16, %get3A_19, %dot_general3A {dimension_numbers = #tpu.dot_dimension_numbers<[1], [0], [0], [1], [0, 0, 1, 1], [], []>, transpose_lhs_hint = false} : vector<10000x128xf32>, vector<128x64xf32>, vector<10000x64xf32> -> vector<10000x64xf32>
    %get3A_21 = arith.constant 0 : index
    %get3A_22 = arith.constant 0 : index
    %get3A_23 = vector.load %arg4[%get3A_21, %get3A_22] : memref<1x64xf32, #tpu.memory_space<vmem>>, vector<1x64xf32>
    %add3A_24 = vector.broadcast %get3A_23 : vector<1x64xf32> to vector<10000x64xf32>
    %add3A_25 = arith.addf %dot_general3A_20, %add3A_24 : vector<10000x64xf32>
    %tanh3A = math.tanh %add3A_25 : vector<10000x64xf32>
    %get3A_26 = arith.constant 0 : index
    %get3A_27 = arith.constant 0 : index
    %get3A_28 = vector.load %arg5[%get3A_26, %get3A_27] : memref<64x1xf32, #tpu.memory_space<vmem>>, vector<64x1xf32>
    %dot_general3A_29 = arith.constant dense<0.000000e+00> : vector<10000x1xf32>
    %dot_general3A_30 = tpu.matmul %tanh3A, %get3A_28, %dot_general3A_29 {dimension_numbers = #tpu.dot_dimension_numbers<[1], [0], [0], [1], [0, 0, 1, 1], [], []>, transpose_lhs_hint = false} : vector<10000x64xf32>, vector<64x1xf32>, vector<10000x1xf32> -> vector<10000x1xf32>
    %get3A_31 = arith.constant 0 : index
    %get3A_32 = arith.constant 0 : index
    %get3A_33 = vector.load %arg2[%get3A_31, %get3A_32] : memref<10000x1xf32, #tpu.memory_space<vmem>>, vector<10000x1xf32>
    %mul3A_34 = arith.mulf %dot_general3A_30, %get3A_33 : vector<10000x1xf32>
    %swap3A = arith.constant 0 : index
    %swap3A_35 = arith.constant 0 : index
    %swap3A_36 = vector.load %arg6[%swap3A, %swap3A_35] : memref<10000x1xf32, #tpu.memory_space<vmem>>, vector<10000x1xf32>
    tpu.vector_store %arg6[%swap3A, %swap3A_35], %mul3A_34 {strides = array<i32>} : memref<10000x1xf32, #tpu.memory_space<vmem>>, vector<10000x1xf32>,
    return
  }
}

module attributes {stable_mosaic.version = 14 : i64} {
  func.func @_tc3_body(%arg0: memref<32x10000xf32, #tpu.memory_space<vmem>>, %arg1: memref<10000x1xf32, #tpu.memory_space<vmem>>, %arg2: memref<10000x1xf32, #tpu.memory_space<vmem>>, %arg3: memref<1x1xf32, #tpu.memory_space<vmem>>, %arg4: memref<1x1xf32, #tpu.memory_space<vmem>>) attributes {dimension_semantics = [], scalar_prefetch = 0 : i64, scratch_operands = 0 : i64, tpu.core_type = #tpu.core_type<tc>} {
    %get3A = arith.constant 0 : index
    %get3A_0 = arith.constant 0 : index
    %get3A_1 = vector.load %arg0[%get3A, %get3A_0] : memref<32x10000xf32, #tpu.memory_space<vmem>>, vector<32x10000xf32>
    %reduce_sum3A = arith.constant dense<0.000000e+00> : vector<10000xf32>
    %reduce_sum3A_2 = vector.multi_reduction <add>, %get3A_1, %reduce_sum3A [0] : vector<32x10000xf32> to vector<10000xf32>
    %broadcast_in_dim3A = vector.shape_cast %reduce_sum3A_2 : vector<10000xf32> to vector<10000x1xf32>
    %get3A_3 = arith.constant 0 : index
    %get3A_4 = arith.constant 0 : index
    %get3A_5 = vector.load %arg1[%get3A_3, %get3A_4] : memref<10000x1xf32, #tpu.memory_space<vmem>>, vector<10000x1xf32>
    %add3A = arith.addf %broadcast_in_dim3A, %get3A_5 : vector<10000x1xf32>
    %get3A_6 = arith.constant 0 : index
    %get3A_7 = arith.constant 0 : index
    %get3A_8 = vector.load %arg2[%get3A_6, %get3A_7] : memref<10000x1xf32, #tpu.memory_space<vmem>>, vector<10000x1xf32>
    %mul3A = arith.mulf %add3A, %get3A_8 : vector<10000x1xf32>
    %get3A_9 = arith.constant 0 : index
    %get3A_10 = arith.constant 0 : index
    %get3A_11 = vector.load %arg3[%get3A_9, %get3A_10] : memref<1x1xf32, #tpu.memory_space<vmem>>, vector<1x1xf32>
    %get3A_12 = vector.extract %get3A_11[0, 0] : f32 from vector<1x1xf32>
    %add3A_13 = vector.broadcast %get3A_12 : f32 to vector<10000x1xf32>
    %add3A_14 = arith.addf %mul3A, %add3A_13 : vector<10000x1xf32>
    %mul3A_15 = arith.mulf %add3A_14, %add3A_14 : vector<10000x1xf32>
    %reduce_sum3A_16 = vector.shape_cast %mul3A_15 : vector<10000x1xf32> to vector<1x10000x1xf32>
    %reduce_sum3A_17 = arith.constant dense<0.000000e+00> : vector<1xf32>
    %reduce_sum3A_18 = vector.multi_reduction <add>, %reduce_sum3A_16, %reduce_sum3A_17 [1, 2] : vector<1x10000x1xf32> to vector<1xf32>
    %reduce_sum3A_19 = vector.shape_cast %reduce_sum3A_18 : vector<1xf32> to vector<1x1x1xf32>
    %reduce_sum3A_20 = vector.extract %reduce_sum3A_19[0, 0, 0] : f32 from vector<1x1x1xf32>
    %broadcast_in_dim3A_21 = vector.broadcast %reduce_sum3A_20 : f32 to vector<1x1xf32>
    %sqrt3A = math.sqrt %broadcast_in_dim3A_21 : vector<1x1xf32>
    %swap3A = arith.constant 0 : index
    %swap3A_22 = arith.constant 0 : index
    %swap3A_23 = vector.load %arg4[%swap3A, %swap3A_22] : memref<1x1xf32, #tpu.memory_space<vmem>>, vector<1x1xf32>
    tpu.vector_store %arg4[%swap3A, %swap3A_22], %sqrt3A {strides = array<i32>} : memref<1x1xf32, #tpu.memory_space<vmem>>, vector<1x1xf32>,
    return
  }
}

</mosaic_0001>

<sc_bundles>
// kernel: kernel.11.cloned.1.call-start
scs
__scs_entry_jumppad:
0x0: {  	(pc) =	sbr.rel $0x88, $3  }
0x1: {  	(tag) =	ssettag $0x0;
	lr =	simm.s32 $0x1  }
0x2: {  	[smem:$0x3F9B] =	sst lr;
	_ =	strace $0xD0000000  }
0x3: {  	_ = 	snop  }
0x4: {  	_ = 	snop  }
0x5: {  	_ = 	snop  }
0x6: {  	_ = 	snop  }
0x7: {  	_ = 	snop  }
__scs_overlays_trampoline_lowered:
0x8: {  	[smem:$0x3FAA] =	sst s0  }
0x9: {  	[smem:$0x3FAB] =	sst s1  }
0xa: {  	[smem:$0x3FAC] =	sst s2  }
0xb: {  	[smem:$0x3FAD] =	sst s3  }
0xc: {  	[smem:$0x3FAE] =	sst s4  }
0xd: {  	[smem:$0x3FAF] =	sst s5  }
0xe: {  	[smem:$0x3FB0] =	sst s6  }
0xf: {  	[smem:$0x3FB1] =	sst s7  }
0x10: {  	[smem:$0x3FB2] =	sst s8  }
0x11: {  	[smem:$0x3FB3] =	sst s9;
	s0 =	simm.s32 @!p0 $0x0  }
0x12: {  	s1 =	sld [smem:$0x3F99];
	s0 =	simm.s32 @p0 $0x1  }
0x13: {  	[smem:$0x3FB4] =	sst s0;
	s0 =	simm.s32 @!p1 $0x0  }
0x14: {  	s2 =	sld [smem:$0x3F98];
	s0 =	simm.s32 @p1 $0x1  }
0x15: {  	[smem:$0x3FB5] =	sst s0;
	s0 =	simm.s32 @!p2 $0x0  }
0x16: {  	s3 =	sld [smem:$0x3FDB];
	s0 =	simm.s32 @p2 $0x1  }
0x17: {  	s4 =	simm.s32 $0x1BF5;
	[smem:$0x3FB7] =	sst s0  }
0x18: {  	s0 =	sld [smem:$0x3F9A];
	_ =	swait.ge [sflag:s4], $0x0  }
0x19: {  	s7 =	sld [smem:$0x3F9B]  }
0x1a: {  	s8 =	sadd.s32 $0xFFFFE003, lr  }
0x1b: {  	s9 =	sadd.s32 $0xFFFFFEF7, lr;
	s5 =	simm.s32 $0xFFFFFFFF;
	p2 =	slt.u32 s8, $0xFFFFF086  }
0x1c: {  	p1 =	slt.u32 s9, $0xF7A;
	s5 =	simm.s32 @!p2 $0x0  }
0x1d: {  	s5 =	simm.s32 @p1 $0x1;
	p0 =	seq.s32 s7, s2  }
0x1e: {  	s7 =	smul.u32 @!p0 $0xF7A, s2;
	p2 =	seq.s32 @!p0 s5, $0x0  }
0x1f: {  	s9 =	smul.u32 $0xF7A, s1;
	s8 =	simm.s32 @!p0 $0x1BF5;
	p2 =	por !p2, p0  }
0x20: {  	[sflag:s8] =	ssyncset.s32 @!p0 $0xFFFFF086;
	s6 =	sadd.s32 @!p0 s3, s7;
	s7 =	simm.s32 @!p0 $0x108  }
0x21: {  	s3 =	sadd.s32 s3, s9;
	s6 =	sadd.s32 @!p0 $0x88, s6;
	s7 =	simm.s32 @p2 $0x1082  }
0x22: {  	[simem:s7], [sflag:s8] =	dma.local @!p0 [hbm:s6], $0xF7A  }
0x23: {  	s9 =	sor.u32 $0xD0000000, s2;
	s6 =	simm.s32 $0x108;
	_ =	swait.ge @!p0 [sflag:s8], $0x0  }
0x24: {  	s3 =	sadd.s32 $0x88, s3;
	s6 =	simm.s32 @!p1 $0x1082;
	[sflag:s4] =	ssyncset.s32 $0xFFFFF086  }
0x25: {  	[simem:s6], [sflag:s4] =	dma.local [hbm:s3], $0xF7A  }
0x26: {  	[smem:$0x3F9B] =	sst s1;
	(tag) =	ssettag s2;
	_ =	strace s9  }
0x27: {  	s1 =	sld [smem:$0x3FAB]  }
0x28: {  	s2 =	sld [smem:$0x3FAC]  }
0x29: {  	s4 =	sld [smem:$0x3FAE]  }
0x2a: {  	p0 =	seq.s32 s5, $0x0;
	s5 =	sld [smem:$0x3FAF]  }
0x2b: {  	s6 =	sld [smem:$0x3FB0]  }
0x2c: {  	s7 =	sld [smem:$0x3FB1]  }
0x2d: {  	s3 =	simm.s32 $0x108;
	s8 =	sld [smem:$0x3FB2]  }
0x2e: {  	s3 =	simm.s32 @!p0 $0x1082;
	s9 =	sld [smem:$0x3FB3]  }
0x2f: {  	lr =	sadd.s32 s0, s3;
	s0 =	sld [smem:$0x3FAA]  }
0x30: {  	s3 =	sld [smem:$0x3FAD]  }
0x31: {  	[smem:$0x3FB6] =	sst s10  }
0x32: {  	s10 =	sld [smem:$0x3FB4];
	_ =	sdelay $0x3  }
0x33: {  	p0 =	seq.s32 s10, $0x1;
	s10 =	sld [smem:$0x3FB6];
	_ =	sdelay $0x3  }
0x34: {  	[smem:$0x3FB6] =	sst s10  }
0x35: {  	s10 =	sld [smem:$0x3FB5];
	_ =	sdelay $0x3  }
0x36: {  	p1 =	seq.s32 s10, $0x1;
	s10 =	sld [smem:$0x3FB6];
	_ =	sdelay $0x3  }
0x37: {  	[smem:$0x3FB6] =	sst s10  }
0x38: {  	s10 =	sld [smem:$0x3FB7]  }
0x39: {  	_ = 	snop;
	(pc) =	sbr.ind lr, $3  }
0x3a: {  	_ = 	snop  }
0x3b: {  	_ = 	snop  }
0x3c: {  	p2 =	seq.s32 s10, $0x1;
	s10 =	sld [smem:$0x3FB6]  }
0x3d: {  	_ =	shalt  }
0x3e: {  	_ =	shalt  }
0x3f: {  	_ =	shalt  }
0x40: {  	_ =	shalt  }
0x41: {  	_ =	shalt  }
0x42: {  	_ =	shalt  }
0x43: {  	_ =	shalt  }
0x44: {  	_ =	shalt  }
0x45: {  	_ =	shalt  }
0x46: {  	_ =	shalt  }
0x47: {  	_ =	shalt  }
0x48: {  	_ =	shalt  }
0x49: {  	_ =	shalt  }
0x4a: {  	_ =	shalt  }
0x4b: {  	_ =	shalt  }
0x4c: {  	_ =	shalt  }
0x4d: {  	_ =	shalt  }
0x4e: {  	_ =	shalt  }
0x4f: {  	_ =	shalt  }
0x50: {  	_ =	shalt  }
0x51: {  	_ =	shalt  }
0x52: {  	_ =	shalt  }
0x53: {  	_ =	shalt  }
0x54: {  	_ =	shalt  }
0x55: {  	_ =	shalt  }
0x56: {  	_ =	shalt  }
0x57: {  	_ =	shalt  }
0x58: {  	_ =	shalt  }
0x59: {  	_ =	shalt  }
0x5a: {  	_ =	shalt  }
0x5b: {  	_ =	shalt  }
0x5c: {  	_ =	shalt  }
0x5d: {  	_ =	shalt  }
0x5e: {  	_ =	shalt  }
0x5f: {  	_ =	shalt  }
0x60: {  	_ =	shalt  }
0x61: {  	_ =	shalt  }
0x62: {  	_ =	shalt  }
0x63: {  	_ =	shalt  }
0x64: {  	_ =	shalt  }
0x65: {  	_ =	shalt  }
0x66: {  	_ =	shalt  }
0x67: {  	_ =	shalt  }
0x68: {  	_ =	shalt  }
0x69: {  	_ =	shalt  }
0x6a: {  	_ =	shalt  }
0x6b: {  	_ =	shalt  }
0x6c: {  	_ =	shalt  }
0x6d: {  	_ =	shalt  }
0x6e: {  	_ =	shalt  }
0x6f: {  	_ =	shalt  }
0x70: {  	_ =	shalt  }
0x71: {  	_ =	shalt  }
0x72: {  	_ =	shalt  }
0x73: {  	_ =	shalt  }
0x74: {  	_ =	shalt  }
0x75: {  	_ =	shalt  }
0x76: {  	_ =	shalt  }
0x77: {  	_ =	shalt  }
0x78: {  	_ =	shalt  }
0x79: {  	_ =	shalt  }
0x7a: {  	_ =	shalt  }
0x7b: {  	_ =	shalt  }
0x7c: {  	_ =	shalt  }
0x7d: {  	_ =	shalt  }
0x7e: {  	_ =	shalt  }
0x7f: {  	_ =	shalt  }
0x80: {  	_ =	shalt  }
0x81: {  	_ =	shalt  }
0x82: {  	_ =	shalt  }
0x83: {  	_ =	shalt  }
0x84: {  	_ =	shalt  }
0x85: {  	_ =	shalt  }
0x86: {  	_ =	shalt  }
0x87: {  	_ =	shalt  }
.Lfunc_end0:
.L_simem_size_0:
called_computation.1_lowered:
.L_overlay_start_0:
0x88: {  	s2 =	sld [smem:$0x3FD9]  }
0x89: {  	s3 =	sld [smem:$0x3FFE];
	_ =	sdelay $0x1  }
0x8a: {  	s1 =	srdreg.scid  }
0x8b: {  	s0 =	sand.u32 $0x1, s1  }
0x8c: {  	s16 =	sshll.u32 s0, $0xA;
	s2 =	sadd.s32 s3, s2  }
0x8d: {  	s2 =	sadd.s32 s2, s16  }
0x8e: {  	[smem:$0x3FC2] =	sst s2  }
0x8f: {  	_ = 	snop  }
0x90: {  	(tm) =	ssettm $0x1  }
0x91: {  	s17 =	sld [smem:$0x3FFB];
	_ =	sdelay $0x3  }
0x92: {  	_ =	strace s17  }
0x93: {  	s2 =	sld [smem:$0x3FFC];
	_ =	sdelay $0x3  }
0x94: {  	_ =	strace s2  }
0x95: {  	s2 =	sld [smem:$0x3FFD];
	_ =	sdelay $0x3  }
0x96: {  	_ =	strace s2  }
0x97: {  	_ =	strace $0x8FFFFFFF  }
0x98: {  	s18 =	sld [smem:$0x3FDB];
	_ =	sdelay $0x1  }
0x99: {  	s19 =	simm.s32 $_scs_section_size  }
0x9a: {  	s4 =	simm.s32 $_size__tile_overlayer_lowered;
	s5 =	simm.s32 $_tile_overlayer_lowered  }
0x9b: {  	s22 =	simm.s32 $0x1BFF;
	s21 =	sshll.u32 s5, $0x1;
	s2 =	sadd.s32 s19, s18  }
0x9c: {  	s6 =	simm.s32 $0x0;
	s20 =	sshll.u32 s4, $0x1;
	s4 =	sadd.s32 s21, s2  }
0x9d: {  	[timem:s6], [sflag:s22] =	dma.local [hbm:s4], s20  }
0x9e: {  	_ =	swait.ge [sflag:s22], s20  }
0x9f: {  	s3 =	ssub.s32 $0x0, s20;
	[sflag:s22] =	ssyncset.done $0x0  }
0xa0: {  	[sflag:s22] =	ssyncadd.s32 s3;
	_ =	sdelay $0x1  }
0xa1: {  	s23 =	simm.s32 $0x1B8B  }
0xa2: {  	_ =	swait.ge [sflag:s23], $0x1  }
0xa3: {  	[sflag:s23] =	ssyncset.done $0x0  }
0xa4: {  	s25 =	simm.s32 $0x1B8E;
	s24 =	sld [smem:$0x3FFE];
	[sflag:s23] =	ssyncadd.s32 $0xFFFFFFFF  }
0xa5: {  	s26 =	simm.s32 $execute0_lowered;
	[smem:$0x3FD2] =	sst s25  }
0xa6: {  	s4 =	sshll.u32 s26, $0x1;
	_ =	strace $0x80000049;
	[dreg:$0x1] =	wrdreg $0xFFFFFFFF  }
0xa7: {  	s28 =	simm.s32 $_size_execute0_lowered;
	s2 =	sadd.s32 s2, s4;
	[dreg:$0x0] =	wrdreg $0x0  }
0xa8: {  	s4 =	sshll.u32 s28, $0x1;
	[dreg:$0x2] =	wrdreg s2  }
0xa9: {  	[dreg:$0x3] =	wrdreg s4  }
0xaa: {  	[dreg:$0x4] =	wrdreg $0xC0  }
0xab: {  	_ =	task [dreg:s6], $0x5FFFF  }
0xac: {  	[dreg:$0x1] =	wrdreg $0xFFFFFFFF  }
0xad: {  	[dreg:$0x0] =	wrdreg $0x60  }
0xae: {  	[dreg:$0x2] =	wrdreg s24  }
0xaf: {  	[dreg:$0x3] =	wrdreg $0x29000  }
0xb0: {  	[dreg:$0x4] =	wrdreg $0x9  }
0xb1: {  	_ =	task.clear_ibuf [dreg:s6], $0x5FFFF;
	_ =	strace $0x90000049  }
0xb2: {  	s29 =	simm.s32 $0x9;
	_ =	strace $0x8000004B  }
0xb3: {  	_ =	swait.ge [sflag:s29], $0x1  }
0xb4: {  	[sflag:s29] =	ssyncadd.s32 $0xFFFFFFFF  }
0xb5: {  	_ =	strace $0x9000004B  }
0xb6: {  	_ =	sfence  }
0xb7: {  	s30 =	sld [smem:$0x0];
	_ =	sdelay $0x2  }
0xb8: {  	s31 =	sshll.u32 s1, $0xD;
	s1 =	sshrl.u32 s1, $0x2  }
0xb9: {  	s3 =	sand.u32 $0x4000, s31;
	s1 =	sadd.s32 s1, s30  }
0xba: {  	s0 =	sor.u32 s3, s0;
	s1 =	sshll.u32 s1, $0x11  }
0xbb: {  	s0 =	sor.u32 s1, s0  }
0xbc: {  	s0 =	sadd.s32 $0x8F2B, s0  }
0xbd: {  	[sflag:s0] =	ssyncadd.remote.s32 $0x1  }
0xbe: {  	_ =	sfence.sel $0xFFFF  }
0xbf: {  	[dreg:$0x0] =	wrdreg $0xFFFFFFFF;
	(pc) =	sbr.abs _section_cstart, $3  }
0xc0: {  	[dreg:$0x1] =	wrdreg $0xFFFFFFFF  }
0xc1: {  	_ =	task.clear_ibuf [dreg:s6], $0x2FFFF;
	_ =	strace $0x9FFFFFFF  }
0xc2: {  	(tm) =	ssettm $0x7FFFFFFF  }
0xc3: {  	_ =	shalt  }
tec
execute0_lowered:
.L_overlay_start_1:
0x0: {  	(tag) =	ssettag $0x1  }
0x1: {  	s0 =	srdreg.scid;
	s5 =	rddreg [dreg:$0x0]  }
0x2: {  	s15 =	stileid.u32;
	s1 =	rddreg [dreg:$0x1]  }
0x3: {  	s2 =	simm.s32 $0x0;
	s10 =	simm.s32 $0x2;
	s11 =	simm.s32 $0x80  }
0x4: {  	s12 =	simm.s32 $0x50;
	s13 =	simm.s32 $0x100;
	s3 =	smul.u32 $0x4E20, s15  }
0x5: {  	s14 =	simm.s32 $0x1;
	s17 =	simm.s32 $0x0;
	s7 =	smul.u32 $0x1F400, s15  }
0x6: {  	s6 =	sand.u32 $0x1, s0;
	s0 =	rddreg [dreg:$0x2];
	s9 =	smul.u32 $0x7D000, s15  }
0x7: {  	[smem:$0x7FF] =	sst s2;
	p0 =	sne.s32 s15, $0x0;
	s4 =	smul.u32 $0x2710, s6  }
0x8: {  	p1 =	sgt.u32 s15, $0x9;
	s30 =	smul.u32 $0x138800, s6;
	s6 =	ssub.s32 $0x2, s6  }
0x9: {  	_ =	strace $0x8000004A;
	s15 =	sshll.u32 @!p1 s15, $0x6;
	s31 =	sshrl.u32 s6, $0x1  }
0xa: {  	s9 =	sshrl.u32 s9, $0x2;
	s15 =	sor.u32 @!p1 $0x1C02, s15;
	s3 =	sadd.s32 s4, s3  }
0xb: {  	s7 =	sadd.s32 s7, s30;
	s4 =	sadd.s32 $0x3C400, s5;
	s6 =	ssub.s32 s6, s31  }
0xc: {  	s16 =	sadd.s32 s9, s1;
	s9 =	sshrl.u32 @!p0 s1, $0x3;
	s3 =	sshrl.u32 s3, $0x3  }
0xd: {  	s7 =	sshrl.u32 s7, $0x3;
	s6 =	smax.u32 s6, $0x1;
	s16 =	sshrl.u32 @!p1 s16, $0x3  }
0xe: {  	s8 =	sadd.s32 s3, s5;
	s3 =	sadd.s32 $0x15200, s5;
	s5 =	sadd.s32 s7, s5  }
0xf: {  	s5 =	sadd.s32 $0x63600, s5;
	s7 =	sadd.s32 $0x1600, s8;
	s8 =	sadd.s32 $0xB400, s8  }
.LBB2_1:
0x10: {  	s18 =	simm.s32 @!p0 $0x1C02  }
0x11: {  	[spmem:s9], [sflag:s18] =	dma.local @!p0 [hbm:s4], $0x27100  }
0x12: {  	s18 =	simm.s32 @!p0 $0x2  }
0x13: {  	_ =	swait.ge @!p0 [sflag:s18], $0x27100  }
0x14: {  	[sflag:s18] =	ssyncset.done @!p0 $0x0  }
0x15: {  	[sflag:s18] =	ssyncadd.s32 @!p0 $0xFFFD8F00  }
0x16: {  	s30 =	sadd.s32 $0x0, s8;
	[bflag:$0x0] =	sbarrier.arrive $0xFFFF  }
0x17: {  	[tilespmem:s2], [sflag:$0x2] =	stream.linear.gather [hbm4b:s30+s2], $0x50, $0x38;
	[tilespmem:$0x16180] =	vst v63  }
0x18: {  	_ =	swait.ge [sflag:s10], $0x50  }
0x19: {  	[sflag:s10] =	ssyncset.done $0x0  }
0x1a: {  	s31 =	sadd.s32 $0x0, s7;
	[sflag:s10] =	ssyncadd.s32 $0xFFFFFFB0  }
0x1b: {  	[tilespmem:s11], [sflag:$0x2] =	stream.linear.gather [hbm4b:s31+s2], $0x50, $0x38;
	[tilespmem:$0x16180] =	vst v63  }
0x1c: {  	_ =	swait.ge [sflag:s10], $0x50  }
0x1d: {  	[sflag:s10] =	ssyncset.done $0x0  }
0x1e: {  	[sflag:s10] =	ssyncadd.s32 $0xFFFFFFB0  }
0x1f: {  	[tilespmem:s13], [sflag:$0x1] =	stream.indirect.gather [hbm4b:s3+s12], $0x80, s2, s12, $0xb8;
	[tilespmem:$0x16180] =	vst v63  }
0x20: {  	_ =	swait.ge [sflag:s14], $0x2800  }
0x21: {  	[sflag:s14] =	ssyncset.done $0x0  }
0x22: {  	[sflag:s14] =	ssyncadd.s32 $0xFFFFD800  }
0x23: {  	[spmem:s1] =	stream.indirect.scatter.add.f32 [tilespmem:s13], [sflag:$0x2], $0x80, s11, s12, $0xb8;
	[tilespmem:$0x16180] =	vst v63  }
0x24: {  	_ =	swait.ge [sflag:s10], $0x2800  }
0x25: {  	s19 =	simm.s32 $0x14;
	s18 =	simm.s32 $0xA;
	[sflag:s10] =	ssyncset.done $0x0  }
.LBB2_2:
0x26: {  	s20 =	sadd.s32 s18, s8  }
0x27: {  	[sflag:s10] =	ssyncadd.s32 $0xFFFFD800;
	s21 =	smov.u32 s19;
	s22 =	sadd.s32 $0xA, s19  }
0x28: {  	[tilespmem:s2], [sflag:$0x2] =	stream.linear.gather [hbm4b:s20+s2], $0x50, $0x38;
	[tilespmem:$0x16180] =	vst v63  }
0x29: {  	p2 =	sne.s32 s19, $0x4D8;
	_ =	swait.ge [sflag:s10], $0x50  }
0x2a: {  	[sflag:s10] =	ssyncset.done $0x0  }
0x2b: {  	s19 =	sadd.s32 s18, s7;
	s18 =	smov.u32 s21;
	[sflag:s10] =	ssyncadd.s32 $0xFFFFFFB0  }
0x2c: {  	[tilespmem:s11], [sflag:$0x2] =	stream.linear.gather [hbm4b:s19+s2], $0x50, $0x38;
	[tilespmem:$0x16180] =	vst v63  }
0x2d: {  	_ =	swait.ge [sflag:s10], $0x50  }
0x2e: {  	[sflag:s10] =	ssyncset.done $0x0  }
0x2f: {  	[sflag:s10] =	ssyncadd.s32 $0xFFFFFFB0  }
0x30: {  	[tilespmem:s13], [sflag:$0x1] =	stream.indirect.gather [hbm4b:s3+s12], $0x80, s2, s12, $0xb8;
	[tilespmem:$0x16180] =	vst v63  }
0x31: {  	_ =	swait.ge [sflag:s14], $0x2800  }
.Ltmp0:
0x32: {  	[sflag:s14] =	ssyncset.done $0x0;
	(pc) =	sbr.rel @p2 .LBB2_2-.Ltmp0, $4  }
0x33: {  	[sflag:s14] =	ssyncadd.s32 $0xFFFFD800  }
0x34: {  	[spmem:s1] =	stream.indirect.scatter.add.f32 [tilespmem:s13], [sflag:$0x2], $0x80, s11, s12, $0xb8;
	[tilespmem:$0x16180] =	vst v63  }
0x35: {  	_ =	swait.ge [sflag:s10], $0x2800  }
0x36: {  	s19 =	smov.u32 s22;
	[sflag:s10] =	ssyncset.done $0x0  }
0x37: {  	s19 =	sadd.s32 s18, s8;
	[sflag:s10] =	ssyncadd.s32 $0xFFFFD800  }
0x38: {  	[tilespmem:s2], [sflag:$0x2] =	stream.linear.gather [hbm4b:s19+s2], $0x50, $0x38;
	[tilespmem:$0x16180] =	vst v63  }
0x39: {  	_ =	swait.ge [sflag:s10], $0x50  }
0x3a: {  	[sflag:s10] =	ssyncset.done $0x0  }
0x3b: {  	s31 =	sadd.s32 s18, s7;
	[sflag:s10] =	ssyncadd.s32 $0xFFFFFFB0  }
0x3c: {  	[tilespmem:s11], [sflag:$0x2] =	stream.linear.gather [hbm4b:s31+s2], $0x50, $0x38;
	[tilespmem:$0x16180] =	vst v63  }
0x3d: {  	_ =	swait.ge [sflag:s10], $0x50  }
0x3e: {  	[sflag:s10] =	ssyncset.done $0x0  }
0x3f: {  	[sflag:s10] =	ssyncadd.s32 $0xFFFFFFB0  }
0x40: {  	[tilespmem:s13], [sflag:$0x1] =	stream.indirect.gather [hbm4b:s3+s12], $0x80, s2, s12, $0xb8;
	[tilespmem:$0x16180] =	vst v63  }
0x41: {  	_ =	swait.ge [sflag:s14], $0x2800  }
0x42: {  	[sflag:s14] =	ssyncset.done $0x0  }
0x43: {  	[sflag:s14] =	ssyncadd.s32 $0xFFFFD800  }
0x44: {  	[spmem:s1] =	stream.indirect.scatter.add.f32 [tilespmem:s13], [sflag:$0x2], $0x80, s11, s12, $0xb8;
	[tilespmem:$0x16180] =	vst v63  }
0x45: {  	_ =	swait.ge [sflag:s10], $0x2800  }
0x46: {  	s17 =	sadd.s32 $0x1, s17;
	[sflag:s10] =	ssyncset.done $0x0  }
0x47: {  	p2 =	sne.s32 s17, s6;
	[sflag:s10] =	ssyncadd.s32 $0xFFFFD800  }
.Ltmp1:
0x48: {  	s18 =	simm.s32 @!p1 $0x2;
	[bflag:$0x0] =	sbarrier.arrive $0xFFFF;
	(pc) =	sbr.rel @p2 .LBB2_1-.Ltmp1, $4  }
0x49: {  	[hbm:s5], [sflag:s15] =	dma.local @!p1 [spmem:s16], $0x3E80  }
0x4a: {  	_ =	swait.ge @!p1 [sflag:s18], $0x3E80  }
0x4b: {  	[sflag:s18] =	ssyncset.done @!p1 $0x0  }
0x4c: {  	[sflag:s18] =	ssyncadd.s32 @!p1 $0xFFFFC180  }
0x4d: {  	_ =	sfence.sel $0x180000  }
0x4e: {  	[bflag:$0x0] =	sbarrier.arrive $0xFFFF  }
0x4f: {  	_ =	strace $0x9000004A  }
0x50: {  	s0 =	sadd.s32 @!p0 $0x100000, s0;
	[bflag:$0x2] =	sbarrier.arrive $0xFFFF  }
0x51: {  	[sflag:s0] =	ssyncadd.tile.s32 @!p0 $0x1;
	_ =	shalt  }
.Lfunc_end2:
_tile_overlayer_lowered:
.L_overlay_start_2:
0x52: {  	(tag) =	ssettag $0x2  }
0x53: {  	s0 =	rddreg [dreg:$0x0];
	s2 =	stileid.u32  }
0x54: {  	s1 =	rddreg [dreg:$0x1];
	p0 =	sne.s32 s2, $0x0  }
0x55: {  	s3 =	rddreg [dreg:$0x2];
	[bflag:$0x3] =	sbarrier.arrive $0xFFFF;
	s2 =	simm.s32 @!p0 $0x1C02  }
0x56: {  	[timem:s3], [sflag:s2] =	dma.local @!p0 [hbm:s0], s1  }
0x57: {  	s0 =	simm.s32 @!p0 $0x2  }
0x58: {  	_ =	swait.ge @!p0 [sflag:s0], s1  }
0x59: {  	s1 =	ssub.s32 @!p0 $0x0, s1;
	[sflag:s0] =	ssyncset.done @!p0 $0x0  }
0x5a: {  	[sflag:s0] =	ssyncadd.s32 @!p0 s1  }
0x5b: {  	[bflag:$0x3] =	sbarrier.arrive $0xFFFF  }
0x5c: {  	_ =	shalt  }

// kernel: kernel.14.cloned.1.call-start
scs
__scs_entry_jumppad:
0x0: {  	(pc) =	sbr.rel $0x88, $3  }
0x1: {  	(tag) =	ssettag $0x0;
	lr =	simm.s32 $0x1  }
0x2: {  	[smem:$0x3F9B] =	sst lr;
	_ =	strace $0xD0000000  }
0x3: {  	_ = 	snop  }
0x4: {  	_ = 	snop  }
0x5: {  	_ = 	snop  }
0x6: {  	_ = 	snop  }
0x7: {  	_ = 	snop  }
__scs_overlays_trampoline_lowered:
0x8: {  	[smem:$0x3FAA] =	sst s0  }
0x9: {  	[smem:$0x3FAB] =	sst s1  }
0xa: {  	[smem:$0x3FAC] =	sst s2  }
0xb: {  	[smem:$0x3FAD] =	sst s3  }
0xc: {  	[smem:$0x3FAE] =	sst s4  }
0xd: {  	[smem:$0x3FAF] =	sst s5  }
0xe: {  	[smem:$0x3FB0] =	sst s6  }
0xf: {  	[smem:$0x3FB1] =	sst s7  }
0x10: {  	[smem:$0x3FB2] =	sst s8  }
0x11: {  	[smem:$0x3FB3] =	sst s9;
	s0 =	simm.s32 @!p0 $0x0  }
0x12: {  	s1 =	sld [smem:$0x3F99];
	s0 =	simm.s32 @p0 $0x1  }
0x13: {  	[smem:$0x3FB4] =	sst s0;
	s0 =	simm.s32 @!p1 $0x0  }
0x14: {  	s2 =	sld [smem:$0x3F98];
	s0 =	simm.s32 @p1 $0x1  }
0x15: {  	[smem:$0x3FB5] =	sst s0;
	s0 =	simm.s32 @!p2 $0x0  }
0x16: {  	s3 =	sld [smem:$0x3FDB];
	s0 =	simm.s32 @p2 $0x1  }
0x17: {  	s4 =	simm.s32 $0x1BF5;
	[smem:$0x3FB7] =	sst s0  }
0x18: {  	s0 =	sld [smem:$0x3F9A];
	_ =	swait.ge [sflag:s4], $0x0  }
0x19: {  	s7 =	sld [smem:$0x3F9B]  }
0x1a: {  	s8 =	sadd.s32 $0xFFFFE003, lr  }
0x1b: {  	s9 =	sadd.s32 $0xFFFFFEF7, lr;
	s5 =	simm.s32 $0xFFFFFFFF;
	p2 =	slt.u32 s8, $0xFFFFF086  }
0x1c: {  	p1 =	slt.u32 s9, $0xF7A;
	s5 =	simm.s32 @!p2 $0x0  }
0x1d: {  	s5 =	simm.s32 @p1 $0x1;
	p0 =	seq.s32 s7, s2  }
0x1e: {  	s7 =	smul.u32 @!p0 $0xF7A, s2;
	p2 =	seq.s32 @!p0 s5, $0x0  }
0x1f: {  	s9 =	smul.u32 $0xF7A, s1;
	s8 =	simm.s32 @!p0 $0x1BF5;
	p2 =	por !p2, p0  }
0x20: {  	[sflag:s8] =	ssyncset.s32 @!p0 $0xFFFFF086;
	s6 =	sadd.s32 @!p0 s3, s7;
	s7 =	simm.s32 @!p0 $0x108  }
0x21: {  	s3 =	sadd.s32 s3, s9;
	s6 =	sadd.s32 @!p0 $0x88, s6;
	s7 =	simm.s32 @p2 $0x1082  }
0x22: {  	[simem:s7], [sflag:s8] =	dma.local @!p0 [hbm:s6], $0xF7A  }
0x23: {  	s9 =	sor.u32 $0xD0000000, s2;
	s6 =	simm.s32 $0x108;
	_ =	swait.ge @!p0 [sflag:s8], $0x0  }
0x24: {  	s3 =	sadd.s32 $0x88, s3;
	s6 =	simm.s32 @!p1 $0x1082;
	[sflag:s4] =	ssyncset.s32 $0xFFFFF086  }
0x25: {  	[simem:s6], [sflag:s4] =	dma.local [hbm:s3], $0xF7A  }
0x26: {  	[smem:$0x3F9B] =	sst s1;
	(tag) =	ssettag s2;
	_ =	strace s9  }
0x27: {  	s1 =	sld [smem:$0x3FAB]  }
0x28: {  	s2 =	sld [smem:$0x3FAC]  }
0x29: {  	s4 =	sld [smem:$0x3FAE]  }
0x2a: {  	p0 =	seq.s32 s5, $0x0;
	s5 =	sld [smem:$0x3FAF]  }
0x2b: {  	s6 =	sld [smem:$0x3FB0]  }
0x2c: {  	s7 =	sld [smem:$0x3FB1]  }
0x2d: {  	s3 =	simm.s32 $0x108;
	s8 =	sld [smem:$0x3FB2]  }
0x2e: {  	s3 =	simm.s32 @!p0 $0x1082;
	s9 =	sld [smem:$0x3FB3]  }
0x2f: {  	lr =	sadd.s32 s0, s3;
	s0 =	sld [smem:$0x3FAA]  }
0x30: {  	s3 =	sld [smem:$0x3FAD]  }
0x31: {  	[smem:$0x3FB6] =	sst s10  }
0x32: {  	s10 =	sld [smem:$0x3FB4];
	_ =	sdelay $0x3  }
0x33: {  	p0 =	seq.s32 s10, $0x1;
	s10 =	sld [smem:$0x3FB6];
	_ =	sdelay $0x3  }
0x34: {  	[smem:$0x3FB6] =	sst s10  }
0x35: {  	s10 =	sld [smem:$0x3FB5];
	_ =	sdelay $0x3  }
0x36: {  	p1 =	seq.s32 s10, $0x1;
	s10 =	sld [smem:$0x3FB6];
	_ =	sdelay $0x3  }
0x37: {  	[smem:$0x3FB6] =	sst s10  }
0x38: {  	s10 =	sld [smem:$0x3FB7]  }
0x39: {  	_ = 	snop;
	(pc) =	sbr.ind lr, $3  }
0x3a: {  	_ = 	snop  }
0x3b: {  	_ = 	snop  }
0x3c: {  	p2 =	seq.s32 s10, $0x1;
	s10 =	sld [smem:$0x3FB6]  }
0x3d: {  	_ =	shalt  }
0x3e: {  	_ =	shalt  }
0x3f: {  	_ =	shalt  }
0x40: {  	_ =	shalt  }
0x41: {  	_ =	shalt  }
0x42: {  	_ =	shalt  }
0x43: {  	_ =	shalt  }
0x44: {  	_ =	shalt  }
0x45: {  	_ =	shalt  }
0x46: {  	_ =	shalt  }
0x47: {  	_ =	shalt  }
0x48: {  	_ =	shalt  }
0x49: {  	_ =	shalt  }
0x4a: {  	_ =	shalt  }
0x4b: {  	_ =	shalt  }
0x4c: {  	_ =	shalt  }
0x4d: {  	_ =	shalt  }
0x4e: {  	_ =	shalt  }
0x4f: {  	_ =	shalt  }
0x50: {  	_ =	shalt  }
0x51: {  	_ =	shalt  }
0x52: {  	_ =	shalt  }
0x53: {  	_ =	shalt  }
0x54: {  	_ =	shalt  }
0x55: {  	_ =	shalt  }
0x56: {  	_ =	shalt  }
0x57: {  	_ =	shalt  }
0x58: {  	_ =	shalt  }
0x59: {  	_ =	shalt  }
0x5a: {  	_ =	shalt  }
0x5b: {  	_ =	shalt  }
0x5c: {  	_ =	shalt  }
0x5d: {  	_ =	shalt  }
0x5e: {  	_ =	shalt  }
0x5f: {  	_ =	shalt  }
0x60: {  	_ =	shalt  }
0x61: {  	_ =	shalt  }
0x62: {  	_ =	shalt  }
0x63: {  	_ =	shalt  }
0x64: {  	_ =	shalt  }
0x65: {  	_ =	shalt  }
0x66: {  	_ =	shalt  }
0x67: {  	_ =	shalt  }
0x68: {  	_ =	shalt  }
0x69: {  	_ =	shalt  }
0x6a: {  	_ =	shalt  }
0x6b: {  	_ =	shalt  }
0x6c: {  	_ =	shalt  }
0x6d: {  	_ =	shalt  }
0x6e: {  	_ =	shalt  }
0x6f: {  	_ =	shalt  }
0x70: {  	_ =	shalt  }
0x71: {  	_ =	shalt  }
0x72: {  	_ =	shalt  }
0x73: {  	_ =	shalt  }
0x74: {  	_ =	shalt  }
0x75: {  	_ =	shalt  }
0x76: {  	_ =	shalt  }
0x77: {  	_ =	shalt  }
0x78: {  	_ =	shalt  }
0x79: {  	_ =	shalt  }
0x7a: {  	_ =	shalt  }
0x7b: {  	_ =	shalt  }
0x7c: {  	_ =	shalt  }
0x7d: {  	_ =	shalt  }
0x7e: {  	_ =	shalt  }
0x7f: {  	_ =	shalt  }
0x80: {  	_ =	shalt  }
0x81: {  	_ =	shalt  }
0x82: {  	_ =	shalt  }
0x83: {  	_ =	shalt  }
0x84: {  	_ =	shalt  }
0x85: {  	_ =	shalt  }
0x86: {  	_ =	shalt  }
0x87: {  	_ =	shalt  }
.Lfunc_end0:
.L_simem_size_0:
called_computation.2_lowered:
.L_overlay_start_0:
0x88: {  	s2 =	sld [smem:$0x3FD9]  }
0x89: {  	s3 =	sld [smem:$0x3FFE];
	_ =	sdelay $0x1  }
0x8a: {  	s1 =	srdreg.scid  }
0x8b: {  	s0 =	sand.u32 $0x1, s1  }
0x8c: {  	s16 =	sshll.u32 s0, $0xA;
	s2 =	sadd.s32 s3, s2  }
0x8d: {  	s2 =	sadd.s32 s2, s16  }
0x8e: {  	[smem:$0x3FC2] =	sst s2  }
0x8f: {  	_ = 	snop  }
0x90: {  	(tm) =	ssettm $0x1  }
0x91: {  	s17 =	sld [smem:$0x3FFB];
	_ =	sdelay $0x3  }
0x92: {  	_ =	strace s17  }
0x93: {  	s2 =	sld [smem:$0x3FFC];
	_ =	sdelay $0x3  }
0x94: {  	_ =	strace s2  }
0x95: {  	s2 =	sld [smem:$0x3FFD];
	_ =	sdelay $0x3  }
0x96: {  	_ =	strace s2  }
0x97: {  	_ =	strace $0x8FFFFFFF  }
0x98: {  	s18 =	sld [smem:$0x3FDB];
	_ =	sdelay $0x1  }
0x99: {  	s19 =	simm.s32 $_scs_section_size  }
0x9a: {  	s4 =	simm.s32 $_size__tile_overlayer_lowered;
	s5 =	simm.s32 $_tile_overlayer_lowered  }
0x9b: {  	s22 =	simm.s32 $0x1BFF;
	s21 =	sshll.u32 s5, $0x1;
	s2 =	sadd.s32 s19, s18  }
0x9c: {  	s6 =	simm.s32 $0x0;
	s20 =	sshll.u32 s4, $0x1;
	s4 =	sadd.s32 s21, s2  }
0x9d: {  	[timem:s6], [sflag:s22] =	dma.local [hbm:s4], s20  }
0x9e: {  	_ =	swait.ge [sflag:s22], s20  }
0x9f: {  	s3 =	ssub.s32 $0x0, s20;
	[sflag:s22] =	ssyncset.done $0x0  }
0xa0: {  	[sflag:s22] =	ssyncadd.s32 s3;
	_ =	sdelay $0x1  }
0xa1: {  	s23 =	simm.s32 $0x1B8B  }
0xa2: {  	_ =	swait.ge [sflag:s23], $0x1  }
0xa3: {  	[sflag:s23] =	ssyncset.done $0x0  }
0xa4: {  	s25 =	simm.s32 $0x1B8E;
	s24 =	sld [smem:$0x3FFE];
	[sflag:s23] =	ssyncadd.s32 $0xFFFFFFFF  }
0xa5: {  	s26 =	simm.s32 $execute0_lowered;
	[smem:$0x3FD2] =	sst s25  }
0xa6: {  	s4 =	sshll.u32 s26, $0x1;
	_ =	strace $0x8000004C;
	[dreg:$0x1] =	wrdreg $0xFFFFFFFF  }
0xa7: {  	s28 =	simm.s32 $_size_execute0_lowered;
	s2 =	sadd.s32 s2, s4;
	[dreg:$0x0] =	wrdreg $0x0  }
0xa8: {  	s4 =	sshll.u32 s28, $0x1;
	[dreg:$0x2] =	wrdreg s2  }
0xa9: {  	[dreg:$0x3] =	wrdreg s4  }
0xaa: {  	[dreg:$0x4] =	wrdreg $0xC0  }
0xab: {  	_ =	task [dreg:s6], $0x5FFFF  }
0xac: {  	[dreg:$0x1] =	wrdreg $0xFFFFFFFF  }
0xad: {  	[dreg:$0x0] =	wrdreg $0x60  }
0xae: {  	[dreg:$0x2] =	wrdreg s24  }
0xaf: {  	[dreg:$0x3] =	wrdreg $0x9  }
0xb0: {  	_ =	task.clear_ibuf [dreg:s6], $0x4FFFF;
	_ =	strace $0x9000004C  }
0xb1: {  	s29 =	simm.s32 $0x9;
	_ =	strace $0x8000004E  }
0xb2: {  	_ =	swait.ge [sflag:s29], $0x1  }
0xb3: {  	[sflag:s29] =	ssyncadd.s32 $0xFFFFFFFF  }
0xb4: {  	_ =	strace $0x9000004E  }
0xb5: {  	_ =	sfence  }
0xb6: {  	s30 =	sld [smem:$0x0];
	_ =	sdelay $0x2  }
0xb7: {  	s31 =	sshll.u32 s1, $0xD;
	s1 =	sshrl.u32 s1, $0x2  }
0xb8: {  	s3 =	sand.u32 $0x4000, s31;
	s1 =	sadd.s32 s1, s30  }
0xb9: {  	s0 =	sor.u32 s3, s0;
	s1 =	sshll.u32 s1, $0x11  }
0xba: {  	s0 =	sor.u32 s1, s0  }
0xbb: {  	s0 =	sadd.s32 $0x8F2B, s0  }
0xbc: {  	[sflag:s0] =	ssyncadd.remote.s32 $0x1  }
0xbd: {  	_ =	sfence.sel $0xFFFF  }
0xbe: {  	[dreg:$0x0] =	wrdreg $0xFFFFFFFF;
	(pc) =	sbr.abs _section_cstart, $3  }
0xbf: {  	[dreg:$0x1] =	wrdreg $0xFFFFFFFF  }
0xc0: {  	_ =	task.clear_ibuf [dreg:s6], $0x2FFFF;
	_ =	strace $0x9FFFFFFF  }
0xc1: {  	(tm) =	ssettm $0x7FFFFFFF  }
tec
execute0_lowered:
.L_overlay_start_1:
0x0: {  	(tag) =	ssettag $0x1  }
0x1: {  	s1 =	srdreg.scid  }
0x2: {  	s0 =	stileid.u32;
	s4 =	rddreg [dreg:$0x0];
	s8 =	simm.s32 $0x1  }
0x3: {  	s9 =	simm.s32 $0x2780;
	s10 =	simm.s32 $0x4F00;
	s11 =	simm.s32 $0x7680  }
0x4: {  	s12 =	simm.s32 $0x80;
	s13 =	simm.s32 $0x400;
	s14 =	simm.s32 $0x0  }
0x5: {  	s3 =	sand.u32 $0x1, s1;
	s2 =	sshll.u32 s0, $0x1;
	s1 =	rddreg [dreg:$0x1]  }
0x6: {  	s6 =	sshrl.u32 s0, $0x2;
	s5 =	sor.u32 s3, s2;
	s2 =	simm.s32 $0x0  }
0x7: {  	s6 =	smul.u32 $0x13C00, s6;
	s30 =	ssub.s32 $0x2, s3;
	s7 =	sshll.u32 s5, $0x7  }
0x8: {  	s3 =	sadd.s32 $0x15200, s4;
	[smem:$0x7FF] =	sst s2;
	s7 =	sand.u32 $0x380, s7  }
0x9: {  	s5 =	smul.u32 $0x4E2, s5;
	s31 =	sshrl.u32 s30, $0x1;
	s6 =	sor.u32 s6, s7  }
0xa: {  	_ =	strace $0x8000004D;
	s7 =	ssub.s32 s30, s31;
	s6 =	sshrl.u32 s6, $0x3  }
0xb: {  	s5 =	sadd.s32 s5, s4;
	s7 =	smax.u32 s7, $0x1;
	s6 =	sadd.s32 s6, s4  }
0xc: {  	v0 =	vimm.f32 $0.0e+00;
	s4 =	sadd.s32 $0xB400, s5;
	s5 =	sadd.s32 $0x1600, s5;
	s6 =	sadd.s32 $0x15800, s6  }
.LBB2_1:
0xd: {  	[tilespmem:s2], [sflag:$0x1] =	stream.linear.gather [hbm4b:s4+s2], $0x2710, $0x38;
	[tilespmem:$0x9E00] =	vst v63  }
0xe: {  	_ =	swait.ge [sflag:s8], $0x2710  }
0xf: {  	[sflag:s8] =	ssyncset.done $0x0  }
0x10: {  	[sflag:s8] =	ssyncadd.s32 $0xFFFFD8F0  }
0x11: {  	[tilespmem:s9], [sflag:$0x1] =	stream.linear.gather [hbm4b:s5+s2], $0x2710, $0x38;
	[tilespmem:$0x9E00] =	vst v63  }
0x12: {  	_ =	swait.ge [sflag:s8], $0x2710  }
0x13: {  	[sflag:s8] =	ssyncset.done $0x0  }
0x14: {  	[sflag:s8] =	ssyncadd.s32 $0xFFFFD8F0  }
0x15: {  	[tilespmem:s10], [sflag:$0x1] =	stream.linear.gather [hbm4b:s3+s2], $0x2780, $0x38;
	[tilespmem:$0x9E00] =	vst v63  }
0x16: {  	_ =	swait.ge [sflag:s8], $0x2780  }
0x17: {  	[sflag:s8] =	ssyncset.done $0x0  }
0x18: {  	s15 =	simm.s32 $0x0;
	[sflag:s8] =	ssyncadd.s32 $0xFFFFD880  }
.LBB2_2:
0x19: {  	p0 =	sne.s32 s15, $0x9C00  }
.Ltmp0:
0x1a: {  	_ = 	snop;
	(pc) =	sbr.rel @p0 .LBB2_2-.Ltmp0, $3  }
0x1b: {  	_ =	sdelay $0x1  }
0x1c: {  	s16 =	sshra.s32 s15, $0x2  }
0x1d: {  	s15 =	sadd.s32 $0x40, s15;
	[tilespmem:s16+$0x7680] =	vst v0  }
0x1e: {  	s16 =	simm.s32 $0x0;
	s15 =	simm.s32 $0x40  }
.LBB2_4:
0x1f: {  	p0 =	sne.s32 s15, $0x9C00;
	v1 =	vld [tilespmem:s16+$0x0];
	_ =	sdelay $0x5  }
0x20: {  	v2 =	vld [tilespmem:s16+$0x2780];
	_ =	sdelay $0x1  }
0x21: {  	v1 =	vld.idx.msk [tilespmem:v1+s10+$0x0], $0xffff;
	_ =	sdelay $0x1  }
.Ltmp1:
0x22: {  	(pc) =	sbr.rel @p0 .LBB2_4-.Ltmp1, $2  }
0x23: {  	_ =	sdelay $0x2  }
0x24: {  	s16 =	sshra.s32 s15, $0x2;
	s15 =	sadd.s32 $0x40, s15;
	[tilespmem:v2+s11+$0x0] =	vst.idx.add.f32.msk $0xffff, v1  }
0x25: {  	v1 =	vld [tilespmem:s16+$0x0];
	_ =	sdelay $0x4  }
0x26: {  	v2 =	vld [tilespmem:s16+$0x2780];
	_ =	sdelay $0x2  }
0x27: {  	v1 =	vld.idx.msk [tilespmem:v1+s10+$0x0], $0xffff;
	_ =	sdelay $0x2  }
0x28: {  	s14 =	sadd.s32 $0x1, s14  }
0x29: {  	p0 =	sne.s32 s14, s7  }
.Ltmp2:
0x2a: {  	[tilespmem:v2+s11+$0x0] =	vst.idx.add.f32.msk $0xffff, v1;
	(pc) =	sbr.rel @p0 .LBB2_1-.Ltmp2, $4  }
0x2b: {  	[hbm4b:s6+s12] =	stream.strided.scatter [tilespmem:s11], [sflag:$0x1], $0x2780, s13, s12, $0x38;
	[tilespmem:$0x9E00] =	vst v63  }
0x2c: {  	_ =	swait.ge [sflag:s8], $0x2780  }
0x2d: {  	[sflag:s8] =	ssyncset.done $0x0  }
0x2e: {  	[sflag:s8] =	ssyncadd.s32 $0xFFFFD880  }
0x2f: {  	_ =	sfence.sel $0x180000  }
0x30: {  	[bflag:$0x0] =	sbarrier.arrive $0xFFFF  }
0x31: {  	p0 =	sne.s32 s0, $0x0;
	_ =	strace $0x9000004D  }
0x32: {  	s0 =	sadd.s32 @!p0 $0x100000, s1;
	[bflag:$0x2] =	sbarrier.arrive $0xFFFF  }
0x33: {  	[sflag:s0] =	ssyncadd.tile.s32 @!p0 $0x1;
	_ =	shalt  }
.Lfunc_end2:
_tile_overlayer_lowered:
.L_overlay_start_2:
0x34: {  	(tag) =	ssettag $0x2  }
0x35: {  	s0 =	rddreg [dreg:$0x0];
	s2 =	stileid.u32  }
0x36: {  	s1 =	rddreg [dreg:$0x1];
	p0 =	sne.s32 s2, $0x0  }
0x37: {  	s3 =	rddreg [dreg:$0x2];
	[bflag:$0x3] =	sbarrier.arrive $0xFFFF;
	s2 =	simm.s32 @!p0 $0x1C01  }
0x38: {  	[timem:s3], [sflag:s2] =	dma.local @!p0 [hbm:s0], s1  }
0x39: {  	s0 =	simm.s32 @!p0 $0x1  }
0x3a: {  	_ =	swait.ge @!p0 [sflag:s0], s1  }
0x3b: {  	s1 =	ssub.s32 @!p0 $0x0, s1;
	[sflag:s0] =	ssyncset.done @!p0 $0x0  }
0x3c: {  	[sflag:s0] =	ssyncadd.s32 @!p0 s1  }
0x3d: {  	[bflag:$0x3] =	sbarrier.arrive $0xFFFF  }
0x3e: {  	_ =	shalt  }

// kernel: kernel.8.cloned.1.call-start
scs
__scs_entry_jumppad:
0x0: {  	(pc) =	sbr.rel $0x88, $3  }
0x1: {  	(tag) =	ssettag $0x0;
	lr =	simm.s32 $0x1  }
0x2: {  	[smem:$0x3F9B] =	sst lr;
	_ =	strace $0xD0000000  }
0x3: {  	_ = 	snop  }
0x4: {  	_ = 	snop  }
0x5: {  	_ = 	snop  }
0x6: {  	_ = 	snop  }
0x7: {  	_ = 	snop  }
__scs_overlays_trampoline_lowered:
0x8: {  	[smem:$0x3FAA] =	sst s0  }
0x9: {  	[smem:$0x3FAB] =	sst s1  }
0xa: {  	[smem:$0x3FAC] =	sst s2  }
0xb: {  	[smem:$0x3FAD] =	sst s3  }
0xc: {  	[smem:$0x3FAE] =	sst s4  }
0xd: {  	[smem:$0x3FAF] =	sst s5  }
0xe: {  	[smem:$0x3FB0] =	sst s6  }
0xf: {  	[smem:$0x3FB1] =	sst s7  }
0x10: {  	[smem:$0x3FB2] =	sst s8  }
0x11: {  	[smem:$0x3FB3] =	sst s9;
	s0 =	simm.s32 @!p0 $0x0  }
0x12: {  	s1 =	sld [smem:$0x3F99];
	s0 =	simm.s32 @p0 $0x1  }
0x13: {  	[smem:$0x3FB4] =	sst s0;
	s0 =	simm.s32 @!p1 $0x0  }
0x14: {  	s2 =	sld [smem:$0x3F98];
	s0 =	simm.s32 @p1 $0x1  }
0x15: {  	[smem:$0x3FB5] =	sst s0;
	s0 =	simm.s32 @!p2 $0x0  }
0x16: {  	s3 =	sld [smem:$0x3FDB];
	s0 =	simm.s32 @p2 $0x1  }
0x17: {  	s4 =	simm.s32 $0x1BF5;
	[smem:$0x3FB7] =	sst s0  }
0x18: {  	s0 =	sld [smem:$0x3F9A];
	_ =	swait.ge [sflag:s4], $0x0  }
0x19: {  	s7 =	sld [smem:$0x3F9B]  }
0x1a: {  	s8 =	sadd.s32 $0xFFFFE003, lr  }
0x1b: {  	s9 =	sadd.s32 $0xFFFFFEF7, lr;
	s5 =	simm.s32 $0xFFFFFFFF;
	p2 =	slt.u32 s8, $0xFFFFF086  }
0x1c: {  	p1 =	slt.u32 s9, $0xF7A;
	s5 =	simm.s32 @!p2 $0x0  }
0x1d: {  	s5 =	simm.s32 @p1 $0x1;
	p0 =	seq.s32 s7, s2  }
0x1e: {  	s7 =	smul.u32 @!p0 $0xF7A, s2;
	p2 =	seq.s32 @!p0 s5, $0x0  }
0x1f: {  	s9 =	smul.u32 $0xF7A, s1;
	s8 =	simm.s32 @!p0 $0x1BF5;
	p2 =	por !p2, p0  }
0x20: {  	[sflag:s8] =	ssyncset.s32 @!p0 $0xFFFFF086;
	s6 =	sadd.s32 @!p0 s3, s7;
	s7 =	simm.s32 @!p0 $0x108  }
0x21: {  	s3 =	sadd.s32 s3, s9;
	s6 =	sadd.s32 @!p0 $0x88, s6;
	s7 =	simm.s32 @p2 $0x1082  }
0x22: {  	[simem:s7], [sflag:s8] =	dma.local @!p0 [hbm:s6], $0xF7A  }
0x23: {  	s9 =	sor.u32 $0xD0000000, s2;
	s6 =	simm.s32 $0x108;
	_ =	swait.ge @!p0 [sflag:s8], $0x0  }
0x24: {  	s3 =	sadd.s32 $0x88, s3;
	s6 =	simm.s32 @!p1 $0x1082;
	[sflag:s4] =	ssyncset.s32 $0xFFFFF086  }
0x25: {  	[simem:s6], [sflag:s4] =	dma.local [hbm:s3], $0xF7A  }
0x26: {  	[smem:$0x3F9B] =	sst s1;
	(tag) =	ssettag s2;
	_ =	strace s9  }
0x27: {  	s1 =	sld [smem:$0x3FAB]  }
0x28: {  	s2 =	sld [smem:$0x3FAC]  }
0x29: {  	s4 =	sld [smem:$0x3FAE]  }
0x2a: {  	p0 =	seq.s32 s5, $0x0;
	s5 =	sld [smem:$0x3FAF]  }
0x2b: {  	s6 =	sld [smem:$0x3FB0]  }
0x2c: {  	s7 =	sld [smem:$0x3FB1]  }
0x2d: {  	s3 =	simm.s32 $0x108;
	s8 =	sld [smem:$0x3FB2]  }
0x2e: {  	s3 =	simm.s32 @!p0 $0x1082;
	s9 =	sld [smem:$0x3FB3]  }
0x2f: {  	lr =	sadd.s32 s0, s3;
	s0 =	sld [smem:$0x3FAA]  }
0x30: {  	s3 =	sld [smem:$0x3FAD]  }
0x31: {  	[smem:$0x3FB6] =	sst s10  }
0x32: {  	s10 =	sld [smem:$0x3FB4];
	_ =	sdelay $0x3  }
0x33: {  	p0 =	seq.s32 s10, $0x1;
	s10 =	sld [smem:$0x3FB6];
	_ =	sdelay $0x3  }
0x34: {  	[smem:$0x3FB6] =	sst s10  }
0x35: {  	s10 =	sld [smem:$0x3FB5];
	_ =	sdelay $0x3  }
0x36: {  	p1 =	seq.s32 s10, $0x1;
	s10 =	sld [smem:$0x3FB6];
	_ =	sdelay $0x3  }
0x37: {  	[smem:$0x3FB6] =	sst s10  }
0x38: {  	s10 =	sld [smem:$0x3FB7]  }
0x39: {  	_ = 	snop;
	(pc) =	sbr.ind lr, $3  }
0x3a: {  	_ = 	snop  }
0x3b: {  	_ = 	snop  }
0x3c: {  	p2 =	seq.s32 s10, $0x1;
	s10 =	sld [smem:$0x3FB6]  }
0x3d: {  	_ =	shalt  }
0x3e: {  	_ =	shalt  }
0x3f: {  	_ =	shalt  }
0x40: {  	_ =	shalt  }
0x41: {  	_ =	shalt  }
0x42: {  	_ =	shalt  }
0x43: {  	_ =	shalt  }
0x44: {  	_ =	shalt  }
0x45: {  	_ =	shalt  }
0x46: {  	_ =	shalt  }
0x47: {  	_ =	shalt  }
0x48: {  	_ =	shalt  }
0x49: {  	_ =	shalt  }
0x4a: {  	_ =	shalt  }
0x4b: {  	_ =	shalt  }
0x4c: {  	_ =	shalt  }
0x4d: {  	_ =	shalt  }
0x4e: {  	_ =	shalt  }
0x4f: {  	_ =	shalt  }
0x50: {  	_ =	shalt  }
0x51: {  	_ =	shalt  }
0x52: {  	_ =	shalt  }
0x53: {  	_ =	shalt  }
0x54: {  	_ =	shalt  }
0x55: {  	_ =	shalt  }
0x56: {  	_ =	shalt  }
0x57: {  	_ =	shalt  }
0x58: {  	_ =	shalt  }
0x59: {  	_ =	shalt  }
0x5a: {  	_ =	shalt  }
0x5b: {  	_ =	shalt  }
0x5c: {  	_ =	shalt  }
0x5d: {  	_ =	shalt  }
0x5e: {  	_ =	shalt  }
0x5f: {  	_ =	shalt  }
0x60: {  	_ =	shalt  }
0x61: {  	_ =	shalt  }
0x62: {  	_ =	shalt  }
0x63: {  	_ =	shalt  }
0x64: {  	_ =	shalt  }
0x65: {  	_ =	shalt  }
0x66: {  	_ =	shalt  }
0x67: {  	_ =	shalt  }
0x68: {  	_ =	shalt  }
0x69: {  	_ =	shalt  }
0x6a: {  	_ =	shalt  }
0x6b: {  	_ =	shalt  }
0x6c: {  	_ =	shalt  }
0x6d: {  	_ =	shalt  }
0x6e: {  	_ =	shalt  }
0x6f: {  	_ =	shalt  }
0x70: {  	_ =	shalt  }
0x71: {  	_ =	shalt  }
0x72: {  	_ =	shalt  }
0x73: {  	_ =	shalt  }
0x74: {  	_ =	shalt  }
0x75: {  	_ =	shalt  }
0x76: {  	_ =	shalt  }
0x77: {  	_ =	shalt  }
0x78: {  	_ =	shalt  }
0x79: {  	_ =	shalt  }
0x7a: {  	_ =	shalt  }
0x7b: {  	_ =	shalt  }
0x7c: {  	_ =	shalt  }
0x7d: {  	_ =	shalt  }
0x7e: {  	_ =	shalt  }
0x7f: {  	_ =	shalt  }
0x80: {  	_ =	shalt  }
0x81: {  	_ =	shalt  }
0x82: {  	_ =	shalt  }
0x83: {  	_ =	shalt  }
0x84: {  	_ =	shalt  }
0x85: {  	_ =	shalt  }
0x86: {  	_ =	shalt  }
0x87: {  	_ =	shalt  }
.Lfunc_end0:
.L_simem_size_0:
called_computation_lowered:
.L_overlay_start_0:
0x88: {  	s2 =	sld [smem:$0x3FD9]  }
0x89: {  	s3 =	sld [smem:$0x3FFE];
	_ =	sdelay $0x1  }
0x8a: {  	s1 =	srdreg.scid  }
0x8b: {  	s0 =	sand.u32 $0x1, s1  }
0x8c: {  	s16 =	sshll.u32 s0, $0xA;
	s2 =	sadd.s32 s3, s2  }
0x8d: {  	s2 =	sadd.s32 s2, s16  }
0x8e: {  	[smem:$0x3FC2] =	sst s2  }
0x8f: {  	_ = 	snop  }
0x90: {  	(tm) =	ssettm $0x1  }
0x91: {  	s17 =	sld [smem:$0x3FFB];
	_ =	sdelay $0x3  }
0x92: {  	_ =	strace s17  }
0x93: {  	s2 =	sld [smem:$0x3FFC];
	_ =	sdelay $0x3  }
0x94: {  	_ =	strace s2  }
0x95: {  	s2 =	sld [smem:$0x3FFD];
	_ =	sdelay $0x3  }
0x96: {  	_ =	strace s2  }
0x97: {  	_ =	strace $0x8FFFFFFF  }
0x98: {  	s18 =	sld [smem:$0x3FDB];
	_ =	sdelay $0x1  }
0x99: {  	s19 =	simm.s32 $_scs_section_size  }
0x9a: {  	s4 =	simm.s32 $_size__tile_overlayer_lowered;
	s5 =	simm.s32 $_tile_overlayer_lowered  }
0x9b: {  	s22 =	simm.s32 $0x1BFF;
	s21 =	sshll.u32 s5, $0x1;
	s2 =	sadd.s32 s19, s18  }
0x9c: {  	s6 =	simm.s32 $0x0;
	s20 =	sshll.u32 s4, $0x1;
	s4 =	sadd.s32 s21, s2  }
0x9d: {  	[timem:s6], [sflag:s22] =	dma.local [hbm:s4], s20  }
0x9e: {  	_ =	swait.ge [sflag:s22], s20  }
0x9f: {  	s3 =	ssub.s32 $0x0, s20;
	[sflag:s22] =	ssyncset.done $0x0  }
0xa0: {  	[sflag:s22] =	ssyncadd.s32 s3;
	_ =	sdelay $0x1  }
0xa1: {  	s23 =	simm.s32 $0x1B8B  }
0xa2: {  	_ =	swait.ge [sflag:s23], $0x1  }
0xa3: {  	[sflag:s23] =	ssyncset.done $0x0  }
0xa4: {  	s25 =	simm.s32 $0x1B8E;
	s24 =	sld [smem:$0x3FFE];
	[sflag:s23] =	ssyncadd.s32 $0xFFFFFFFF  }
0xa5: {  	s26 =	simm.s32 $execute0_lowered;
	[smem:$0x3FD2] =	sst s25  }
0xa6: {  	s4 =	sshll.u32 s26, $0x1;
	_ =	strace $0x80000046;
	[dreg:$0x1] =	wrdreg $0xFFFFFFFF  }
0xa7: {  	s28 =	simm.s32 $_size_execute0_lowered;
	s2 =	sadd.s32 s2, s4;
	[dreg:$0x0] =	wrdreg $0x0  }
0xa8: {  	s4 =	sshll.u32 s28, $0x1;
	[dreg:$0x2] =	wrdreg s2  }
0xa9: {  	[dreg:$0x3] =	wrdreg s4  }
0xaa: {  	[dreg:$0x4] =	wrdreg $0xC0  }
0xab: {  	_ =	task [dreg:s6], $0x5FFFF  }
0xac: {  	[dreg:$0x1] =	wrdreg $0xFFFFFFFF  }
0xad: {  	[dreg:$0x0] =	wrdreg $0x60  }
0xae: {  	[dreg:$0x2] =	wrdreg s24  }
0xaf: {  	[dreg:$0x3] =	wrdreg $0x9  }
0xb0: {  	_ =	task.clear_ibuf [dreg:s6], $0x4FFFF;
	_ =	strace $0x90000046  }
0xb1: {  	s29 =	simm.s32 $0x9;
	_ =	strace $0x80000048  }
0xb2: {  	_ =	swait.ge [sflag:s29], $0x1  }
0xb3: {  	[sflag:s29] =	ssyncadd.s32 $0xFFFFFFFF  }
0xb4: {  	_ =	strace $0x90000048  }
0xb5: {  	_ =	sfence  }
0xb6: {  	s30 =	sld [smem:$0x0];
	_ =	sdelay $0x2  }
0xb7: {  	s31 =	sshll.u32 s1, $0xD;
	s1 =	sshrl.u32 s1, $0x2  }
0xb8: {  	s3 =	sand.u32 $0x4000, s31;
	s1 =	sadd.s32 s1, s30  }
0xb9: {  	s0 =	sor.u32 s3, s0;
	s1 =	sshll.u32 s1, $0x11  }
0xba: {  	s0 =	sor.u32 s1, s0  }
0xbb: {  	s0 =	sadd.s32 $0x8F2B, s0  }
0xbc: {  	[sflag:s0] =	ssyncadd.remote.s32 $0x1  }
0xbd: {  	_ =	sfence.sel $0xFFFF  }
0xbe: {  	[dreg:$0x0] =	wrdreg $0xFFFFFFFF;
	(pc) =	sbr.abs _section_cstart, $3  }
0xbf: {  	[dreg:$0x1] =	wrdreg $0xFFFFFFFF  }
0xc0: {  	_ =	task.clear_ibuf [dreg:s6], $0x2FFFF;
	_ =	strace $0x9FFFFFFF  }
0xc1: {  	(tm) =	ssettm $0x7FFFFFFF  }
tec
execute0_lowered:
.L_overlay_start_1:
0x0: {  	(tag) =	ssettag $0x1  }
0x1: {  	s1 =	srdreg.scid  }
0x2: {  	s0 =	stileid.u32;
	s5 =	rddreg [dreg:$0x0]  }
0x3: {  	s2 =	simm.s32 $0x0;
	s8 =	simm.s32 $0x80;
	s9 =	simm.s32 $0x400  }
0x4: {  	s10 =	simm.s32 $0x0;
	s3 =	sand.u32 $0x1, s1;
	s29 =	sshll.u32 s0, $0x1  }
0x5: {  	s30 =	sshrl.u32 s0, $0x2;
	s1 =	rddreg [dreg:$0x1];
	s4 =	sor.u32 s3, s29  }
0x6: {  	[smem:$0x7FF] =	sst s2;
	s6 =	smul.u32 $0x13C00, s30;
	s7 =	sshll.u32 s4, $0x7  }
0x7: {  	s3 =	ssub.s32 $0x2, s3;
	s4 =	smul.u32 $0x4E2, s4;
	s7 =	sand.u32 $0x380, s7  }
0x8: {  	_ =	strace $0x80000047;
	s31 =	sshrl.u32 s3, $0x1;
	s6 =	sor.u32 s6, s7  }
0x9: {  	s4 =	sadd.s32 s4, s5;
	s7 =	simm.s32 $0x2780;
	s6 =	sshrl.u32 s6, $0x3  }
0xa: {  	s5 =	sadd.s32 s6, s5;
	s6 =	ssub.s32 s3, s31;
	s3 =	sadd.s32 $0x1600, s4  }
0xb: {  	v0 =	vimm.f32 $0.0e+00;
	v1 =	vimm.f32 $1.000000000e+00;
	s4 =	sadd.s32 $0x15200, s5;
	s5 =	smax.u32 s6, $0x1;
	s6 =	simm.s32 $0x1  }
.LBB2_1:
0xc: {  	[tilespmem:s2], [sflag:$0x1] =	stream.linear.gather [hbm4b:s3+s2], $0x2710, $0x38;
	[tilespmem:$0x4F00] =	vst v63  }
0xd: {  	_ =	swait.ge [sflag:s6], $0x2710  }
0xe: {  	[sflag:s6] =	ssyncset.done $0x0  }
0xf: {  	s11 =	simm.s32 $0x0;
	[sflag:s6] =	ssyncadd.s32 $0xFFFFD8F0  }
.LBB2_2:
0x10: {  	p0 =	sne.s32 s11, $0x9C00  }
.Ltmp0:
0x11: {  	_ = 	snop;
	(pc) =	sbr.rel @p0 .LBB2_2-.Ltmp0, $3  }
0x12: {  	_ =	sdelay $0x1  }
0x13: {  	s12 =	sshra.s32 s11, $0x2  }
0x14: {  	s11 =	sadd.s32 $0x40, s11;
	[tilespmem:s12+$0x2780] =	vst v0  }
0x15: {  	s12 =	simm.s32 $0x0;
	s11 =	simm.s32 $0x40  }
.LBB2_4:
0x16: {  	p0 =	sne.s32 s11, $0x9C00;
	v2 =	vld [tilespmem:s12+$0x0];
	_ =	sdelay $0x3  }
.Ltmp1:
0x17: {  	(pc) =	sbr.rel @p0 .LBB2_4-.Ltmp1, $2  }
0x18: {  	_ =	sdelay $0x2  }
0x19: {  	s12 =	sshra.s32 s11, $0x2;
	s11 =	sadd.s32 $0x40, s11;
	[tilespmem:v2+s7+$0x0] =	vst.idx.add.f32.msk $0xffff, v1  }
0x1a: {  	v2 =	vld [tilespmem:s12+$0x0];
	_ =	sdelay $0x5  }
0x1b: {  	s10 =	sadd.s32 $0x1, s10  }
0x1c: {  	p0 =	sne.s32 s10, s5  }
.Ltmp2:
0x1d: {  	[tilespmem:v2+s7+$0x0] =	vst.idx.add.f32.msk $0xffff, v1;
	(pc) =	sbr.rel @p0 .LBB2_1-.Ltmp2, $4  }
0x1e: {  	[hbm4b:s4+s8] =	stream.strided.scatter [tilespmem:s7], [sflag:$0x1], $0x2780, s9, s8, $0x38;
	[tilespmem:$0x4F00] =	vst v63  }
0x1f: {  	_ =	swait.ge [sflag:s6], $0x2780  }
0x20: {  	[sflag:s6] =	ssyncset.done $0x0  }
0x21: {  	[sflag:s6] =	ssyncadd.s32 $0xFFFFD880  }
0x22: {  	_ =	sfence.sel $0x180000  }
0x23: {  	[bflag:$0x0] =	sbarrier.arrive $0xFFFF  }
0x24: {  	p0 =	sne.s32 s0, $0x0;
	_ =	strace $0x90000047  }
0x25: {  	s0 =	sadd.s32 @!p0 $0x100000, s1;
	[bflag:$0x2] =	sbarrier.arrive $0xFFFF  }
0x26: {  	[sflag:s0] =	ssyncadd.tile.s32 @!p0 $0x1;
	_ =	shalt  }
.Lfunc_end2:
_tile_overlayer_lowered:
.L_overlay_start_2:
0x27: {  	(tag) =	ssettag $0x2  }
0x28: {  	s0 =	rddreg [dreg:$0x0];
	s2 =	stileid.u32  }
0x29: {  	s1 =	rddreg [dreg:$0x1];
	p0 =	sne.s32 s2, $0x0  }
0x2a: {  	s3 =	rddreg [dreg:$0x2];
	[bflag:$0x3] =	sbarrier.arrive $0xFFFF;
	s2 =	simm.s32 @!p0 $0x1C01  }
0x2b: {  	[timem:s3], [sflag:s2] =	dma.local @!p0 [hbm:s0], s1  }
0x2c: {  	s0 =	simm.s32 @!p0 $0x1  }
0x2d: {  	_ =	swait.ge @!p0 [sflag:s0], s1  }
0x2e: {  	s1 =	ssub.s32 @!p0 $0x0, s1;
	[sflag:s0] =	ssyncset.done @!p0 $0x0  }
0x2f: {  	[sflag:s0] =	ssyncadd.s32 @!p0 s1  }
0x30: {  	[bflag:$0x3] =	sbarrier.arrive $0xFFFF  }
0x31: {  	_ =	shalt  }

</sc_bundles>
